<compile_context>
chip_gen: v7x
topology: tpu7x:2x2x1
jax: 0.10.2.dev20260603
libtpu: 0.0.44.dev20260713+nightly
codegen_flags: <defaults>
</compile_context>

<pallas_src>
import functools
import math

import jax
import jax.numpy as jnp
from jax import lax
from jax.experimental import pallas as pl
from jax.experimental.pallas import tpu as pltpu
from jax.experimental.pallas import tpu_sc as plsc

B = 16384
DATA_DIM = 512
DIM = 64
HALF = DIM // 2
NUM_CELL = 100

_SIN_C = (6.283168273564918, -41.337929774906165, 81.47313282270473,
          -75.0932740471627, 33.95650071282797)
_COS_C = (0.9999994434755294, -19.739034355263385, 64.93061294590028,
          -85.29596684284616, 58.91253793524945, -21.282995036331283)


def _sincos_2pi(u):
    r = u - jnp.floor(u + 0.5)
    z = r * r
    s = _SIN_C[4]
    for c in (_SIN_C[3], _SIN_C[2], _SIN_C[1], _SIN_C[0]):
        s = s * z + c
    s = s * r
    q = _COS_C[5]
    for c in (_COS_C[4], _COS_C[3], _COS_C[2], _COS_C[1], _COS_C[0]):
        q = q * z + c
    return s, q



_BS = 2048


def _tc_body(t_ref, xt_ref, cell_ref, dose_ref, tf_ref, df_ref, wp_ref,
             bp_ref, ct_ref, time_out, xt_out, cell_out, dose_out):
    u = tf_ref[...] * t_ref[...]
    s, c = _sincos_2pi(u)
    time_out[0:HALF, :] = s
    time_out[HALF:DIM, :] = c

    xt_out[...] = lax.dot_general(
        wp_ref[...], xt_ref[...], (((0,), (1,)), ((), ())),
        preferred_element_type=jnp.float32) + bp_ref[...]

    idx = cell_ref[...]
    iota = lax.broadcasted_iota(jnp.int32, (NUM_CELL, _BS), 0)
    onehot = (iota == idx).astype(jnp.float32)
    cell_out[...] = lax.dot_general(
        ct_ref[...], onehot, (((0,), (0,)), ((), ())),
        preferred_element_type=jnp.float32)

    for p in range(3):
        up = df_ref[...] * dose_ref[pl.ds(p, 1), :]
        sp, cp = _sincos_2pi(up)
        dose_out[pl.ds(DIM * p, HALF), :] = sp
        dose_out[pl.ds(DIM * p + HALF, HALF), :] = cp


def _tc_dense(time, xt, cell_type, dose3, time_freqs, dose_freqs, Wp, bp,
              cell_table):
    grid = (B // _BS,)
    return pl.pallas_call(
        _tc_body,
        grid=grid,
        in_specs=[
            pl.BlockSpec((1, _BS), lambda i: (0, i)),
            pl.BlockSpec((_BS, DATA_DIM), lambda i: (i, 0)),
            pl.BlockSpec((1, _BS), lambda i: (0, i)),
            pl.BlockSpec((3, _BS), lambda i: (0, i)),
            pl.BlockSpec((HALF, 1), lambda i: (0, 0)),
            pl.BlockSpec((HALF, 1), lambda i: (0, 0)),
            pl.BlockSpec((DATA_DIM, DIM), lambda i: (0, 0)),
            pl.BlockSpec((DIM, 1), lambda i: (0, 0)),
            pl.BlockSpec((NUM_CELL, DIM), lambda i: (0, 0)),
        ],
        out_specs=[
            pl.BlockSpec((DIM, _BS), lambda i: (0, i)),
            pl.BlockSpec((DIM, _BS), lambda i: (0, i)),
            pl.BlockSpec((DIM, _BS), lambda i: (0, i)),
            pl.BlockSpec((3 * DIM, _BS), lambda i: (0, i)),
        ],
        out_shape=[
            jax.ShapeDtypeStruct((DIM, B), jnp.float32),
            jax.ShapeDtypeStruct((DIM, B), jnp.float32),
            jax.ShapeDtypeStruct((DIM, B), jnp.float32),
            jax.ShapeDtypeStruct((3 * DIM, B), jnp.float32),
        ],
    )(
        time.reshape(1, B), xt, cell_type.reshape(1, B), dose3,
        time_freqs.reshape(HALF, 1), dose_freqs.reshape(HALF, 1), Wp,
        bp.reshape(DIM, 1), cell_table,
    )



_VB = 8192


def _pad_t_body(t_ref, out_ref):
    out_ref[:, 0:DIM] = jnp.transpose(t_ref[...])


def _tc_pad_transpose(table_t):
    v = table_t.shape[1]
    grid = ((v + _VB - 1) // _VB,)
    return pl.pallas_call(
        _pad_t_body,
        grid=grid,
        in_specs=[pl.BlockSpec((DIM, _VB), lambda i: (0, i))],
        out_specs=pl.BlockSpec((_VB, 128), lambda i: (i, 0)),
        out_shape=jax.ShapeDtypeStruct((v, 128), jnp.float32),
    )(table_t)



_CHUNK = 128
_N = 3 * B


def _sc_gather_both(gene_pad, mol_pad, gene_idx, mol_idx):
    info = plsc.get_sparse_core_info()
    nw = info.num_cores * info.num_subcores
    per_w = _N // nw
    n_ch = per_w // _CHUNK
    assert per_w % _CHUNK == 0
    gidx3 = jnp.pad(gene_idx.reshape(nw, n_ch, _CHUNK),
                    ((0, 0), (0, 4), (0, 0)))
    midx3 = jnp.pad(mol_idx.reshape(nw, n_ch, _CHUNK),
                    ((0, 0), (0, 4), (0, 0)))
    mesh = plsc.VectorSubcoreMesh(core_axis_name="c", subcore_axis_name="s")

    def body(gidx_hbm, midx_hbm, gtab_hbm, mtab_hbm, gout_hbm, mout_hbm,
             giv, miv, buf0, buf1, sem0, sem1):
        wid = lax.axis_index("s") * info.num_cores + lax.axis_index("c")
        base = pl.multiple_of(wid * per_w, _CHUNK)
        pltpu.sync_copy(gidx_hbm.at[wid], giv)
        pltpu.sync_copy(midx_hbm.at[wid], miv)
        for idx_v, tab, out in ((giv, gtab_hbm, gout_hbm),
                                (miv, mtab_hbm, mout_hbm)):
            bufs = (buf0, buf1)
            sems = (sem0, sem1)
            cps = [None] * n_ch
            cps[0] = pltpu.async_copy(tab.at[idx_v.at[0]], buf0, sem0)
            for j in range(n_ch):
                if j + 1 < n_ch:
                    cps[j + 1] = pltpu.async_copy(
                        tab.at[idx_v.at[j + 1]], bufs[(j + 1) % 2],
                        sems[(j + 1) % 2])
                cps[j].wait()
                pltpu.sync_copy(
                    bufs[j % 2], out.at[pl.ds(base + j * _CHUNK, _CHUNK)])

    fn = pl.kernel(
        body,
        out_type=(jax.ShapeDtypeStruct((_N, 128), jnp.float32),
                  jax.ShapeDtypeStruct((_N, 128), jnp.float32)),
        mesh=mesh,
        scratch_types=[
            pltpu.VMEM((n_ch + 4, _CHUNK), jnp.int32),
            pltpu.VMEM((n_ch + 4, _CHUNK), jnp.int32),
            pltpu.VMEM((_CHUNK, 128), jnp.float32),
            pltpu.VMEM((_CHUNK, 128), jnp.float32),
            pltpu.SemaphoreType.DMA,
            pltpu.SemaphoreType.DMA,
        ],
        compiler_params=pltpu.CompilerParams(use_tc_tiling_on_sc=True),
    )
    return fn(gidx3, midx3, gene_pad, mol_pad)



_TBS = 2048


def _tr_body(g_ref, m_ref, g_out, m_out):
    g_out[...] = jnp.transpose(g_ref[:, 0:DIM])[None]
    m_out[...] = jnp.transpose(m_ref[:, 0:DIM])[None]


def _tc_transpose(gene_rows, mol_rows):
    nb = B // _TBS
    grid = (_N // _TBS,)
    return pl.pallas_call(
        _tr_body,
        grid=grid,
        in_specs=[
            pl.BlockSpec((_TBS, 128), lambda i: (i, 0)),
            pl.BlockSpec((_TBS, 128), lambda i: (i, 0)),
        ],
        out_specs=[
            pl.BlockSpec((1, DIM, _TBS), lambda i: (i // nb, 0, i % nb)),
            pl.BlockSpec((1, DIM, _TBS), lambda i: (i // nb, 0, i % nb)),
        ],
        out_shape=[
            jax.ShapeDtypeStruct((3, DIM, B), jnp.float32),
            jax.ShapeDtypeStruct((3, DIM, B), jnp.float32),
        ],
    )(gene_rows, mol_rows)


def kernel(time, xt, cell_type, gene_pert_idx, mol_pert_idx, mol_dose,
           time_freqs, dose_freqs, Wp, bp, cell_table, gene_table, mol_table):
    dose3 = mol_dose.reshape(3, B)
    time_T, xt_T, cell_T, dose_T = _tc_dense(
        time, xt, cell_type, dose3, time_freqs, dose_freqs, Wp, bp,
        cell_table)

    gene_pad = _tc_pad_transpose(gene_table.T)
    mol_pad = _tc_pad_transpose(mol_table.T)
    gene_flat, mol_flat = _sc_gather_both(
        gene_pad, mol_pad, gene_pert_idx.reshape(-1),
        mol_pert_idx.reshape(-1))
    gene_T, mol_T = _tc_transpose(gene_flat, mol_flat)

    time_emb = time_T.T
    xt_emb = xt_T.T
    cell_emb = cell_T.T
    dose_emb = dose_T.reshape(3, DIM, B).transpose(0, 2, 1)
    gene_emb = gene_T.transpose(0, 2, 1)
    mol_emb = mol_T.transpose(0, 2, 1)
    return (time_emb, xt_emb, cell_emb, gene_emb, mol_emb, dose_emb)

# --- scband reference (transcript-rebuilt; emitter-appended) ---
"""Pipeline reference for scband-embedding-module-77781857731242 (READ-ONLY COPY).

The authoritative reference and input builder live on the scoring server;
editing this copy changes nothing except your own understanding.
"""

import jax, jax.numpy as jnp
import numpy as np

B = 16384
DATA_DIM = 512
DIM = 64
NUM_CELL = 100
NUM_GENE = 100000
NUM_MOL = 1000000
BANDWIDTH = 1.0


def fourier_embed(x, freqs):
    # Gaussian fourier features: x scalar per element -> [sin(2*pi*f*x), cos(2*pi*f*x)]
    proj = 2.0 * jnp.pi * x[..., None] * freqs[None, :]
    return jnp.concatenate([jnp.sin(proj), jnp.cos(proj)], axis=-1)


def setup_inputs(seed: int = 0) -> dict:
    key = jax.random.key(seed)
    ks = jax.random.split(key, 13)
    return {
        "time": jax.random.uniform(ks[0], (B,), dtype=jnp.float32),
        "xt": jax.random.normal(ks[1], (B, DATA_DIM), dtype=jnp.float32),
        "cell_type": jax.random.randint(ks[2], (B,), 0, NUM_CELL, dtype=jnp.int32),
        "gene_pert_idx": jax.random.randint(ks[3], (B, 3), 0, NUM_GENE, dtype=jnp.int32),
        "mol_pert_idx": jax.random.randint(ks[4], (B, 3), 0, NUM_MOL, dtype=jnp.int32),
        "mol_dose": jax.random.uniform(ks[5], (B, 3), dtype=jnp.float32),
        "time_freqs": BANDWIDTH * jax.random.normal(ks[6], (DIM // 2,), dtype=jnp.float32),
        "dose_freqs": BANDWIDTH * jax.random.normal(ks[7], (DIM // 2,), dtype=jnp.float32),
        "Wp": 0.02 * jax.random.normal(ks[8], (DATA_DIM, DIM), dtype=jnp.float32),
        "bp": jnp.zeros((DIM,), dtype=jnp.float32),
        "cell_table": 0.02 * jax.random.normal(ks[9], (NUM_CELL, DIM), dtype=jnp.float32),
        "gene_table": 0.02 * jax.random.normal(ks[10], (NUM_GENE, DIM), dtype=jnp.float32),
        "mol_table": 0.02 * jax.random.normal(ks[11], (NUM_MOL, DIM), dtype=jnp.float32),
    }


def reference(time, xt, cell_type, gene_pert_idx, mol_pert_idx, mol_dose,
              time_freqs, dose_freqs, Wp, bp, cell_table, gene_table, mol_table):
    # time -> fourier embedder
    time_emb = fourier_embed(time, time_freqs)                      # [B, DIM]
    # xt -> projection embedder
    xt_emb = xt @ Wp + bp                                           # [B, DIM]
    # cell_type -> one-hot embedder (table lookup)
    cell_emb = jnp.take(cell_table, cell_type, axis=0)              # [B, DIM]
    # gene perts: batch-major flatten (b0p0,b0p1,b0p2,b1p0,...) then view(3, -1, d)
    gene_flat = jnp.take(gene_table, gene_pert_idx.reshape(-1), axis=0)
    gene_emb = gene_flat.reshape(3, -1, gene_flat.shape[-1])        # [3, B, DIM]
    # mol perts: same layout
    mol_flat = jnp.take(mol_table, mol_pert_idx.reshape(-1), axis=0)
    mol_emb = mol_flat.reshape(3, -1, mol_flat.shape[-1])           # [3, B, DIM]
    # doses: fourier-embedded scalars, same flatten + view(3, -1, d)
    dose_flat = fourier_embed(mol_dose.reshape(-1), dose_freqs)
    dose_emb = dose_flat.reshape(3, -1, dose_flat.shape[-1])        # [3, B, DIM]
    return (time_emb, xt_emb, cell_emb, gene_emb, mol_emb, dose_emb)

if __name__ == "__main__":
    import jax
    _d = setup_inputs()
    print(jax.jit(kernel)(*tuple(_d.values())))

</pallas_src>

<mosaic_0001>
#map = affine_map<(d0, d1) -> (0, 0, 0)>
#map1 = affine_map<(d0, d1) -> (0, 0)>
module attributes {stable_mosaic.version = 14 : i64} {
  func.func @body(%arg0: i32, %arg1: i32, %arg2: memref<32x16x128xi32, #tpu.memory_space<hbm>>, %arg3: memref<32x16x128xi32, #tpu.memory_space<hbm>>, %arg4: memref<100000x128xf32, #tpu.memory_space<hbm>>, %arg5: memref<1000000x128xf32, #tpu.memory_space<hbm>>, %arg6: memref<49152x128xf32, #tpu.memory_space<hbm>>, %arg7: memref<49152x128xf32, #tpu.memory_space<hbm>>, %arg8: memref<16x128xi32, #tpu.memory_space<vmem>>, %arg9: memref<16x128xi32, #tpu.memory_space<vmem>>, %arg10: memref<128x128xf32, #tpu.memory_space<vmem>>, %arg11: memref<128x128xf32, #tpu.memory_space<vmem>>, %arg12: memref<!tpu.dma_semaphore, #tpu.memory_space<semaphore_mem>>, %arg13: memref<!tpu.dma_semaphore, #tpu.memory_space<semaphore_mem>>) attributes {dimension_semantics = [#tpu.dimension_semantics<core_parallel>, #tpu.dimension_semantics<subcore_parallel>], iteration_bounds = array<i64: 2, 16>, scalar_prefetch = 0 : i64, scratch_operands = 6 : i64, tpu.core_type = #tpu.core_type<sc_vector_subcore>, window_params = [{transform_indices = #map}, {transform_indices = #map}, {transform_indices = #map1}, {transform_indices = #map1}, {transform_indices = #map1}, {transform_indices = #map1}]} {
    %mul3A = arith.constant 2 : i32
    %mul3A_0 = arith.muli %arg1, %mul3A : i32
    %add3A = arith.addi %mul3A_0, %arg0 : i32
    %mul3A_1 = arith.constant 1536 : i32
    %mul3A_2 = arith.muli %add3A, %mul3A_1 : i32
    %multiple_of3A = tpu.assume_multiple %mul3A_2, 128 : i32
    "tpu.region"() ({
      %run_scoped3A = tpu.sem_alloc : memref<!tpu.dma_semaphore, #tpu.memory_space<semaphore_mem>>
      %dma_start3A_385 = arith.constant 0 : i32
      %dma_start3A_386 = arith.constant 0 : i32
      %dma_start3A_387 = tpu.memref_slice %arg2[%add3A, %dma_start3A_385, %dma_start3A_386] : memref<32x16x128xi32, #tpu.memory_space<hbm>> -> memref<1x16x128xi32, #tpu.memory_space<hbm>>
      %dma_start3A_388 = tpu.memref_squeeze %dma_start3A_387 : memref<1x16x128xi32, #tpu.memory_space<hbm>> -> memref<16x128xi32, #tpu.memory_space<hbm>>
      %dma_start3A_389 = arith.constant 0 : i32
      %dma_start3A_390 = arith.constant 0 : i32
      %dma_start3A_391 = tpu.memref_slice %arg2[%add3A, %dma_start3A_389, %dma_start3A_390] : memref<32x16x128xi32, #tpu.memory_space<hbm>> -> memref<1x16x128xi32, #tpu.memory_space<hbm>>
      %dma_start3A_392 = tpu.memref_squeeze %dma_start3A_391 : memref<1x16x128xi32, #tpu.memory_space<hbm>> -> memref<16x128xi32, #tpu.memory_space<hbm>>
      tpu.enqueue_dma source(%dma_start3A_392 : memref<16x128xi32, #tpu.memory_space<hbm>>) target(%arg8 : memref<16x128xi32, #tpu.memory_space<vmem>>) target_semaphore(%run_scoped3A : memref<!tpu.dma_semaphore, #tpu.memory_space<semaphore_mem>>)
      %dma_wait3A_393 = arith.constant 0 : i32
      %dma_wait3A_394 = arith.constant 0 : i32
      %dma_wait3A_395 = tpu.memref_slice %arg2[%add3A, %dma_wait3A_393, %dma_wait3A_394] : memref<32x16x128xi32, #tpu.memory_space<hbm>> -> memref<1x16x128xi32, #tpu.memory_space<hbm>>
      %dma_wait3A_396 = tpu.memref_squeeze %dma_wait3A_395 : memref<1x16x128xi32, #tpu.memory_space<hbm>> -> memref<16x128xi32, #tpu.memory_space<hbm>>
      %dma_wait3A_397 = arith.constant 0 : i32
      %dma_wait3A_398 = arith.constant 0 : i32
      %dma_wait3A_399 = tpu.memref_slice %arg2[%add3A, %dma_wait3A_397, %dma_wait3A_398] : memref<32x16x128xi32, #tpu.memory_space<hbm>> -> memref<1x16x128xi32, #tpu.memory_space<hbm>>
      %dma_wait3A_400 = tpu.memref_squeeze %dma_wait3A_399 : memref<1x16x128xi32, #tpu.memory_space<hbm>> -> memref<16x128xi32, #tpu.memory_space<hbm>>
      tpu.wait_dma2 semaphore(%run_scoped3A : memref<!tpu.dma_semaphore, #tpu.memory_space<semaphore_mem>>) src(%dma_wait3A_400 : memref<16x128xi32, #tpu.memory_space<hbm>>) dst(%arg8 : memref<16x128xi32, #tpu.memory_space<vmem>>)
      tpu.yield
    }) : () -> ()
    "tpu.region"() ({
      %run_scoped3A = tpu.sem_alloc : memref<!tpu.dma_semaphore, #tpu.memory_space<semaphore_mem>>
      %dma_start3A_385 = arith.constant 0 : i32
      %dma_start3A_386 = arith.constant 0 : i32
      %dma_start3A_387 = tpu.memref_slice %arg3[%add3A, %dma_start3A_385, %dma_start3A_386] : memref<32x16x128xi32, #tpu.memory_space<hbm>> -> memref<1x16x128xi32, #tpu.memory_space<hbm>>
      %dma_start3A_388 = tpu.memref_squeeze %dma_start3A_387 : memref<1x16x128xi32, #tpu.memory_space<hbm>> -> memref<16x128xi32, #tpu.memory_space<hbm>>
      %dma_start3A_389 = arith.constant 0 : i32
      %dma_start3A_390 = arith.constant 0 : i32
      %dma_start3A_391 = tpu.memref_slice %arg3[%add3A, %dma_start3A_389, %dma_start3A_390] : memref<32x16x128xi32, #tpu.memory_space<hbm>> -> memref<1x16x128xi32, #tpu.memory_space<hbm>>
      %dma_start3A_392 = tpu.memref_squeeze %dma_start3A_391 : memref<1x16x128xi32, #tpu.memory_space<hbm>> -> memref<16x128xi32, #tpu.memory_space<hbm>>
      tpu.enqueue_dma source(%dma_start3A_392 : memref<16x128xi32, #tpu.memory_space<hbm>>) target(%arg9 : memref<16x128xi32, #tpu.memory_space<vmem>>) target_semaphore(%run_scoped3A : memref<!tpu.dma_semaphore, #tpu.memory_space<semaphore_mem>>)
      %dma_wait3A_393 = arith.constant 0 : i32
      %dma_wait3A_394 = arith.constant 0 : i32
      %dma_wait3A_395 = tpu.memref_slice %arg3[%add3A, %dma_wait3A_393, %dma_wait3A_394] : memref<32x16x128xi32, #tpu.memory_space<hbm>> -> memref<1x16x128xi32, #tpu.memory_space<hbm>>
      %dma_wait3A_396 = tpu.memref_squeeze %dma_wait3A_395 : memref<1x16x128xi32, #tpu.memory_space<hbm>> -> memref<16x128xi32, #tpu.memory_space<hbm>>
      %dma_wait3A_397 = arith.constant 0 : i32
      %dma_wait3A_398 = arith.constant 0 : i32
      %dma_wait3A_399 = tpu.memref_slice %arg3[%add3A, %dma_wait3A_397, %dma_wait3A_398] : memref<32x16x128xi32, #tpu.memory_space<hbm>> -> memref<1x16x128xi32, #tpu.memory_space<hbm>>
      %dma_wait3A_400 = tpu.memref_squeeze %dma_wait3A_399 : memref<1x16x128xi32, #tpu.memory_space<hbm>> -> memref<16x128xi32, #tpu.memory_space<hbm>>
      tpu.wait_dma2 semaphore(%run_scoped3A : memref<!tpu.dma_semaphore, #tpu.memory_space<semaphore_mem>>) src(%dma_wait3A_400 : memref<16x128xi32, #tpu.memory_space<hbm>>) dst(%arg9 : memref<16x128xi32, #tpu.memory_space<vmem>>)
      tpu.yield
    }) : () -> ()
    %dma_start3A = arith.constant 0 : i32
    %dma_start3A_3 = arith.constant 0 : i32
    %dma_start3A_4 = tpu.memref_slice %arg8[%dma_start3A, %dma_start3A_3] : memref<16x128xi32, #tpu.memory_space<vmem>> -> memref<1x128xi32, #tpu.memory_space<vmem>>
    %dma_start3A_5 = tpu.memref_squeeze %dma_start3A_4 : memref<1x128xi32, #tpu.memory_space<vmem>> -> memref<128xi32, #tpu.memory_space<vmem>>
    %dma_start3A_6 = arith.constant 0 : i32
    %dma_start3A_7 = arith.constant 0 : i32
    %dma_start3A_8 = tpu.memref_slice %arg4[%dma_start3A_6, %dma_start3A_7] : memref<100000x128xf32, #tpu.memory_space<hbm>> -> memref<100000x128xf32, #tpu.memory_space<hbm>>
    tpu.enqueue_indirect_dma source(%dma_start3A_8 : memref<100000x128xf32, #tpu.memory_space<hbm>>) target(%arg10 : memref<128x128xf32, #tpu.memory_space<vmem>>) offsets(%dma_start3A_5 : memref<128xi32, #tpu.memory_space<vmem>>) semaphore(%arg12 : memref<!tpu.dma_semaphore, #tpu.memory_space<semaphore_mem>>)
    %dma_start3A_9 = arith.constant 1 : i32
    %dma_start3A_10 = arith.constant 0 : i32
    %dma_start3A_11 = tpu.memref_slice %arg8[%dma_start3A_9, %dma_start3A_10] : memref<16x128xi32, #tpu.memory_space<vmem>> -> memref<1x128xi32, #tpu.memory_space<vmem>>
    %dma_start3A_12 = tpu.memref_squeeze %dma_start3A_11 : memref<1x128xi32, #tpu.memory_space<vmem>> -> memref<128xi32, #tpu.memory_space<vmem>>
    %dma_start3A_13 = arith.constant 0 : i32
    %dma_start3A_14 = arith.constant 0 : i32
    %dma_start3A_15 = tpu.memref_slice %arg4[%dma_start3A_13, %dma_start3A_14] : memref<100000x128xf32, #tpu.memory_space<hbm>> -> memref<100000x128xf32, #tpu.memory_space<hbm>>
    tpu.enqueue_indirect_dma source(%dma_start3A_15 : memref<100000x128xf32, #tpu.memory_space<hbm>>) target(%arg11 : memref<128x128xf32, #tpu.memory_space<vmem>>) offsets(%dma_start3A_12 : memref<128xi32, #tpu.memory_space<vmem>>) semaphore(%arg13 : memref<!tpu.dma_semaphore, #tpu.memory_space<semaphore_mem>>)
    %dma_wait3A = arith.constant 0 : i32
    %dma_wait3A_16 = arith.constant 0 : i32
    %dma_wait3A_17 = tpu.memref_slice %arg8[%dma_wait3A, %dma_wait3A_16] : memref<16x128xi32, #tpu.memory_space<vmem>> -> memref<1x128xi32, #tpu.memory_space<vmem>>
    %dma_wait3A_18 = tpu.memref_squeeze %dma_wait3A_17 : memref<1x128xi32, #tpu.memory_space<vmem>> -> memref<128xi32, #tpu.memory_space<vmem>>
    %dma_wait3A_19 = arith.constant 0 : i32
    %dma_wait3A_20 = arith.constant 0 : i32
    %dma_wait3A_21 = tpu.memref_slice %arg4[%dma_wait3A_19, %dma_wait3A_20] : memref<100000x128xf32, #tpu.memory_space<hbm>> -> memref<100000x128xf32, #tpu.memory_space<hbm>>
    tpu.wait_indirect_dma semaphore(%arg12 : memref<!tpu.dma_semaphore, #tpu.memory_space<semaphore_mem>>) src(%dma_wait3A_21 : memref<100000x128xf32, #tpu.memory_space<hbm>>) dst(%arg10 : memref<128x128xf32, #tpu.memory_space<vmem>>)
    %add3A_22 = arith.constant 0 : i32
    %add3A_23 = arith.addi %multiple_of3A, %add3A_22 : i32
    "tpu.region"() ({
      %run_scoped3A = tpu.sem_alloc : memref<!tpu.dma_semaphore, #tpu.memory_space<semaphore_mem>>
      %dma_start3A_385 = arith.constant 0 : i32
      %dma_start3A_386 = tpu.memref_slice %arg6[%add3A_23, %dma_start3A_385] : memref<49152x128xf32, #tpu.memory_space<hbm>> -> memref<128x128xf32, #tpu.memory_space<hbm>>
      %dma_start3A_387 = arith.constant 0 : i32
      %dma_start3A_388 = tpu.memref_slice %arg6[%add3A_23, %dma_start3A_387] : memref<49152x128xf32, #tpu.memory_space<hbm>> -> memref<128x128xf32, #tpu.memory_space<hbm>>
      tpu.enqueue_dma source(%arg10 : memref<128x128xf32, #tpu.memory_space<vmem>>) target(%dma_start3A_388 : memref<128x128xf32, #tpu.memory_space<hbm>>) target_semaphore(%run_scoped3A : memref<!tpu.dma_semaphore, #tpu.memory_space<semaphore_mem>>)
      %dma_wait3A_389 = arith.constant 0 : i32
      %dma_wait3A_390 = tpu.memref_slice %arg6[%add3A_23, %dma_wait3A_389] : memref<49152x128xf32, #tpu.memory_space<hbm>> -> memref<128x128xf32, #tpu.memory_space<hbm>>
      %dma_wait3A_391 = arith.constant 0 : i32
      %dma_wait3A_392 = tpu.memref_slice %arg6[%add3A_23, %dma_wait3A_391] : memref<49152x128xf32, #tpu.memory_space<hbm>> -> memref<128x128xf32, #tpu.memory_space<hbm>>
      tpu.wait_dma2 semaphore(%run_scoped3A : memref<!tpu.dma_semaphore, #tpu.memory_space<semaphore_mem>>) src(%arg10 : memref<128x128xf32, #tpu.memory_space<vmem>>) dst(%dma_wait3A_392 : memref<128x128xf32, #tpu.memory_space<hbm>>)
      tpu.yield
    }) : () -> ()
    %dma_start3A_24 = arith.constant 2 : i32
    %dma_start3A_25 = arith.constant 0 : i32
    %dma_start3A_26 = tpu.memref_slice %arg8[%dma_start3A_24, %dma_start3A_25] : memref<16x128xi32, #tpu.memory_space<vmem>> -> memref<1x128xi32, #tpu.memory_space<vmem>>
    %dma_start3A_27 = tpu.memref_squeeze %dma_start3A_26 : memref<1x128xi32, #tpu.memory_space<vmem>> -> memref<128xi32, #tpu.memory_space<vmem>>
    %dma_start3A_28 = arith.constant 0 : i32
    %dma_start3A_29 = arith.constant 0 : i32
    %dma_start3A_30 = tpu.memref_slice %arg4[%dma_start3A_28, %dma_start3A_29] : memref<100000x128xf32, #tpu.memory_space<hbm>> -> memref<100000x128xf32, #tpu.memory_space<hbm>>
    tpu.enqueue_indirect_dma source(%dma_start3A_30 : memref<100000x128xf32, #tpu.memory_space<hbm>>) target(%arg10 : memref<128x128xf32, #tpu.memory_space<vmem>>) offsets(%dma_start3A_27 : memref<128xi32, #tpu.memory_space<vmem>>) semaphore(%arg12 : memref<!tpu.dma_semaphore, #tpu.memory_space<semaphore_mem>>)
    %dma_wait3A_31 = arith.constant 1 : i32
    %dma_wait3A_32 = arith.constant 0 : i32
    %dma_wait3A_33 = tpu.memref_slice %arg8[%dma_wait3A_31, %dma_wait3A_32] : memref<16x128xi32, #tpu.memory_space<vmem>> -> memref<1x128xi32, #tpu.memory_space<vmem>>
    %dma_wait3A_34 = tpu.memref_squeeze %dma_wait3A_33 : memref<1x128xi32, #tpu.memory_space<vmem>> -> memref<128xi32, #tpu.memory_space<vmem>>
    %dma_wait3A_35 = arith.constant 0 : i32
    %dma_wait3A_36 = arith.constant 0 : i32
    %dma_wait3A_37 = tpu.memref_slice %arg4[%dma_wait3A_35, %dma_wait3A_36] : memref<100000x128xf32, #tpu.memory_space<hbm>> -> memref<100000x128xf32, #tpu.memory_space<hbm>>
    tpu.wait_indirect_dma semaphore(%arg13 : memref<!tpu.dma_semaphore, #tpu.memory_space<semaphore_mem>>) src(%dma_wait3A_37 : memref<100000x128xf32, #tpu.memory_space<hbm>>) dst(%arg11 : memref<128x128xf32, #tpu.memory_space<vmem>>)
    %add3A_38 = arith.constant 128 : i32
    %add3A_39 = arith.addi %multiple_of3A, %add3A_38 : i32
    "tpu.region"() ({
      %run_scoped3A = tpu.sem_alloc : memref<!tpu.dma_semaphore, #tpu.memory_space<semaphore_mem>>
      %dma_start3A_385 = arith.constant 0 : i32
      %dma_start3A_386 = tpu.memref_slice %arg6[%add3A_39, %dma_start3A_385] : memref<49152x128xf32, #tpu.memory_space<hbm>> -> memref<128x128xf32, #tpu.memory_space<hbm>>
      %dma_start3A_387 = arith.constant 0 : i32
      %dma_start3A_388 = tpu.memref_slice %arg6[%add3A_39, %dma_start3A_387] : memref<49152x128xf32, #tpu.memory_space<hbm>> -> memref<128x128xf32, #tpu.memory_space<hbm>>
      tpu.enqueue_dma source(%arg11 : memref<128x128xf32, #tpu.memory_space<vmem>>) target(%dma_start3A_388 : memref<128x128xf32, #tpu.memory_space<hbm>>) target_semaphore(%run_scoped3A : memref<!tpu.dma_semaphore, #tpu.memory_space<semaphore_mem>>)
      %dma_wait3A_389 = arith.constant 0 : i32
      %dma_wait3A_390 = tpu.memref_slice %arg6[%add3A_39, %dma_wait3A_389] : memref<49152x128xf32, #tpu.memory_space<hbm>> -> memref<128x128xf32, #tpu.memory_space<hbm>>
      %dma_wait3A_391 = arith.constant 0 : i32
      %dma_wait3A_392 = tpu.memref_slice %arg6[%add3A_39, %dma_wait3A_391] : memref<49152x128xf32, #tpu.memory_space<hbm>> -> memref<128x128xf32, #tpu.memory_space<hbm>>
      tpu.wait_dma2 semaphore(%run_scoped3A : memref<!tpu.dma_semaphore, #tpu.memory_space<semaphore_mem>>) src(%arg11 : memref<128x128xf32, #tpu.memory_space<vmem>>) dst(%dma_wait3A_392 : memref<128x128xf32, #tpu.memory_space<hbm>>)
      tpu.yield
    }) : () -> ()
    %dma_start3A_40 = arith.constant 3 : i32
    %dma_start3A_41 = arith.constant 0 : i32
    %dma_start3A_42 = tpu.memref_slice %arg8[%dma_start3A_40, %dma_start3A_41] : memref<16x128xi32, #tpu.memory_space<vmem>> -> memref<1x128xi32, #tpu.memory_space<vmem>>
    %dma_start3A_43 = tpu.memref_squeeze %dma_start3A_42 : memref<1x128xi32, #tpu.memory_space<vmem>> -> memref<128xi32, #tpu.memory_space<vmem>>
    %dma_start3A_44 = arith.constant 0 : i32
    %dma_start3A_45 = arith.constant 0 : i32
    %dma_start3A_46 = tpu.memref_slice %arg4[%dma_start3A_44, %dma_start3A_45] : memref<100000x128xf32, #tpu.memory_space<hbm>> -> memref<100000x128xf32, #tpu.memory_space<hbm>>
    tpu.enqueue_indirect_dma source(%dma_start3A_46 : memref<100000x128xf32, #tpu.memory_space<hbm>>) target(%arg11 : memref<128x128xf32, #tpu.memory_space<vmem>>) offsets(%dma_start3A_43 : memref<128xi32, #tpu.memory_space<vmem>>) semaphore(%arg13 : memref<!tpu.dma_semaphore, #tpu.memory_space<semaphore_mem>>)
    %dma_wait3A_47 = arith.constant 2 : i32
    %dma_wait3A_48 = arith.constant 0 : i32
    %dma_wait3A_49 = tpu.memref_slice %arg8[%dma_wait3A_47, %dma_wait3A_48] : memref<16x128xi32, #tpu.memory_space<vmem>> -> memref<1x128xi32, #tpu.memory_space<vmem>>
    %dma_wait3A_50 = tpu.memref_squeeze %dma_wait3A_49 : memref<1x128xi32, #tpu.memory_space<vmem>> -> memref<128xi32, #tpu.memory_space<vmem>>
    %dma_wait3A_51 = arith.constant 0 : i32
    %dma_wait3A_52 = arith.constant 0 : i32
    %dma_wait3A_53 = tpu.memref_slice %arg4[%dma_wait3A_51, %dma_wait3A_52] : memref<100000x128xf32, #tpu.memory_space<hbm>> -> memref<100000x128xf32, #tpu.memory_space<hbm>>
    tpu.wait_indirect_dma semaphore(%arg12 : memref<!tpu.dma_semaphore, #tpu.memory_space<semaphore_mem>>) src(%dma_wait3A_53 : memref<100000x128xf32, #tpu.memory_space<hbm>>) dst(%arg10 : memref<128x128xf32, #tpu.memory_space<vmem>>)
    %add3A_54 = arith.constant 256 : i32
    %add3A_55 = arith.addi %multiple_of3A, %add3A_54 : i32
    "tpu.region"() ({
      %run_scoped3A = tpu.sem_alloc : memref<!tpu.dma_semaphore, #tpu.memory_space<semaphore_mem>>
      %dma_start3A_385 = arith.constant 0 : i32
      %dma_start3A_386 = tpu.memref_slice %arg6[%add3A_55, %dma_start3A_385] : memref<49152x128xf32, #tpu.memory_space<hbm>> -> memref<128x128xf32, #tpu.memory_space<hbm>>
      %dma_start3A_387 = arith.constant 0 : i32
      %dma_start3A_388 = tpu.memref_slice %arg6[%add3A_55, %dma_start3A_387] : memref<49152x128xf32, #tpu.memory_space<hbm>> -> memref<128x128xf32, #tpu.memory_space<hbm>>
      tpu.enqueue_dma source(%arg10 : memref<128x128xf32, #tpu.memory_space<vmem>>) target(%dma_start3A_388 : memref<128x128xf32, #tpu.memory_space<hbm>>) target_semaphore(%run_scoped3A : memref<!tpu.dma_semaphore, #tpu.memory_space<semaphore_mem>>)
      %dma_wait3A_389 = arith.constant 0 : i32
      %dma_wait3A_390 = tpu.memref_slice %arg6[%add3A_55, %dma_wait3A_389] : memref<49152x128xf32, #tpu.memory_space<hbm>> -> memref<128x128xf32, #tpu.memory_space<hbm>>
      %dma_wait3A_391 = arith.constant 0 : i32
      %dma_wait3A_392 = tpu.memref_slice %arg6[%add3A_55, %dma_wait3A_391] : memref<49152x128xf32, #tpu.memory_space<hbm>> -> memref<128x128xf32, #tpu.memory_space<hbm>>
      tpu.wait_dma2 semaphore(%run_scoped3A : memref<!tpu.dma_semaphore, #tpu.memory_space<semaphore_mem>>) src(%arg10 : memref<128x128xf32, #tpu.memory_space<vmem>>) dst(%dma_wait3A_392 : memref<128x128xf32, #tpu.memory_space<hbm>>)
      tpu.yield
    }) : () -> ()
    %dma_start3A_56 = arith.constant 4 : i32
    %dma_start3A_57 = arith.constant 0 : i32
    %dma_start3A_58 = tpu.memref_slice %arg8[%dma_start3A_56, %dma_start3A_57] : memref<16x128xi32, #tpu.memory_space<vmem>> -> memref<1x128xi32, #tpu.memory_space<vmem>>
    %dma_start3A_59 = tpu.memref_squeeze %dma_start3A_58 : memref<1x128xi32, #tpu.memory_space<vmem>> -> memref<128xi32, #tpu.memory_space<vmem>>
    %dma_start3A_60 = arith.constant 0 : i32
    %dma_start3A_61 = arith.constant 0 : i32
    %dma_start3A_62 = tpu.memref_slice %arg4[%dma_start3A_60, %dma_start3A_61] : memref<100000x128xf32, #tpu.memory_space<hbm>> -> memref<100000x128xf32, #tpu.memory_space<hbm>>
    tpu.enqueue_indirect_dma source(%dma_start3A_62 : memref<100000x128xf32, #tpu.memory_space<hbm>>) target(%arg10 : memref<128x128xf32, #tpu.memory_space<vmem>>) offsets(%dma_start3A_59 : memref<128xi32, #tpu.memory_space<vmem>>) semaphore(%arg12 : memref<!tpu.dma_semaphore, #tpu.memory_space<semaphore_mem>>)
    %dma_wait3A_63 = arith.constant 3 : i32
    %dma_wait3A_64 = arith.constant 0 : i32
    %dma_wait3A_65 = tpu.memref_slice %arg8[%dma_wait3A_63, %dma_wait3A_64] : memref<16x128xi32, #tpu.memory_space<vmem>> -> memref<1x128xi32, #tpu.memory_space<vmem>>
    %dma_wait3A_66 = tpu.memref_squeeze %dma_wait3A_65 : memref<1x128xi32, #tpu.memory_space<vmem>> -> memref<128xi32, #tpu.memory_space<vmem>>
    %dma_wait3A_67 = arith.constant 0 : i32
    %dma_wait3A_68 = arith.constant 0 : i32
    %dma_wait3A_69 = tpu.memref_slice %arg4[%dma_wait3A_67, %dma_wait3A_68] : memref<100000x128xf32, #tpu.memory_space<hbm>> -> memref<100000x128xf32, #tpu.memory_space<hbm>>
    tpu.wait_indirect_dma semaphore(%arg13 : memref<!tpu.dma_semaphore, #tpu.memory_space<semaphore_mem>>) src(%dma_wait3A_69 : memref<100000x128xf32, #tpu.memory_space<hbm>>) dst(%arg11 : memref<128x128xf32, #tpu.memory_space<vmem>>)
    %add3A_70 = arith.constant 384 : i32
    %add3A_71 = arith.addi %multiple_of3A, %add3A_70 : i32
    "tpu.region"() ({
      %run_scoped3A = tpu.sem_alloc : memref<!tpu.dma_semaphore, #tpu.memory_space<semaphore_mem>>
      %dma_start3A_385 = arith.constant 0 : i32
      %dma_start3A_386 = tpu.memref_slice %arg6[%add3A_71, %dma_start3A_385] : memref<49152x128xf32, #tpu.memory_space<hbm>> -> memref<128x128xf32, #tpu.memory_space<hbm>>
      %dma_start3A_387 = arith.constant 0 : i32
      %dma_start3A_388 = tpu.memref_slice %arg6[%add3A_71, %dma_start3A_387] : memref<49152x128xf32, #tpu.memory_space<hbm>> -> memref<128x128xf32, #tpu.memory_space<hbm>>
      tpu.enqueue_dma source(%arg11 : memref<128x128xf32, #tpu.memory_space<vmem>>) target(%dma_start3A_388 : memref<128x128xf32, #tpu.memory_space<hbm>>) target_semaphore(%run_scoped3A : memref<!tpu.dma_semaphore, #tpu.memory_space<semaphore_mem>>)
      %dma_wait3A_389 = arith.constant 0 : i32
      %dma_wait3A_390 = tpu.memref_slice %arg6[%add3A_71, %dma_wait3A_389] : memref<49152x128xf32, #tpu.memory_space<hbm>> -> memref<128x128xf32, #tpu.memory_space<hbm>>
      %dma_wait3A_391 = arith.constant 0 : i32
      %dma_wait3A_392 = tpu.memref_slice %arg6[%add3A_71, %dma_wait3A_391] : memref<49152x128xf32, #tpu.memory_space<hbm>> -> memref<128x128xf32, #tpu.memory_space<hbm>>
      tpu.wait_dma2 semaphore(%run_scoped3A : memref<!tpu.dma_semaphore, #tpu.memory_space<semaphore_mem>>) src(%arg11 : memref<128x128xf32, #tpu.memory_space<vmem>>) dst(%dma_wait3A_392 : memref<128x128xf32, #tpu.memory_space<hbm>>)
      tpu.yield
    }) : () -> ()
    %dma_start3A_72 = arith.constant 5 : i32
    %dma_start3A_73 = arith.constant 0 : i32
    %dma_start3A_74 = tpu.memref_slice %arg8[%dma_start3A_72, %dma_start3A_73] : memref<16x128xi32, #tpu.memory_space<vmem>> -> memref<1x128xi32, #tpu.memory_space<vmem>>
    %dma_start3A_75 = tpu.memref_squeeze %dma_start3A_74 : memref<1x128xi32, #tpu.memory_space<vmem>> -> memref<128xi32, #tpu.memory_space<vmem>>
    %dma_start3A_76 = arith.constant 0 : i32
    %dma_start3A_77 = arith.constant 0 : i32
    %dma_start3A_78 = tpu.memref_slice %arg4[%dma_start3A_76, %dma_start3A_77] : memref<100000x128xf32, #tpu.memory_space<hbm>> -> memref<100000x128xf32, #tpu.memory_space<hbm>>
    tpu.enqueue_indirect_dma source(%dma_start3A_78 : memref<100000x128xf32, #tpu.memory_space<hbm>>) target(%arg11 : memref<128x128xf32, #tpu.memory_space<vmem>>) offsets(%dma_start3A_75 : memref<128xi32, #tpu.memory_space<vmem>>) semaphore(%arg13 : memref<!tpu.dma_semaphore, #tpu.memory_space<semaphore_mem>>)
    %dma_wait3A_79 = arith.constant 4 : i32
    %dma_wait3A_80 = arith.constant 0 : i32
    %dma_wait3A_81 = tpu.memref_slice %arg8[%dma_wait3A_79, %dma_wait3A_80] : memref<16x128xi32, #tpu.memory_space<vmem>> -> memref<1x128xi32, #tpu.memory_space<vmem>>
    %dma_wait3A_82 = tpu.memref_squeeze %dma_wait3A_81 : memref<1x128xi32, #tpu.memory_space<vmem>> -> memref<128xi32, #tpu.memory_space<vmem>>
    %dma_wait3A_83 = arith.constant 0 : i32
    %dma_wait3A_84 = arith.constant 0 : i32
    %dma_wait3A_85 = tpu.memref_slice %arg4[%dma_wait3A_83, %dma_wait3A_84] : memref<100000x128xf32, #tpu.memory_space<hbm>> -> memref<100000x128xf32, #tpu.memory_space<hbm>>
    tpu.wait_indirect_dma semaphore(%arg12 : memref<!tpu.dma_semaphore, #tpu.memory_space<semaphore_mem>>) src(%dma_wait3A_85 : memref<100000x128xf32, #tpu.memory_space<hbm>>) dst(%arg10 : memref<128x128xf32, #tpu.memory_space<vmem>>)
    %add3A_86 = arith.constant 512 : i32
    %add3A_87 = arith.addi %multiple_of3A, %add3A_86 : i32
    "tpu.region"() ({
      %run_scoped3A = tpu.sem_alloc : memref<!tpu.dma_semaphore, #tpu.memory_space<semaphore_mem>>
      %dma_start3A_385 = arith.constant 0 : i32
      %dma_start3A_386 = tpu.memref_slice %arg6[%add3A_87, %dma_start3A_385] : memref<49152x128xf32, #tpu.memory_space<hbm>> -> memref<128x128xf32, #tpu.memory_space<hbm>>
      %dma_start3A_387 = arith.constant 0 : i32
      %dma_start3A_388 = tpu.memref_slice %arg6[%add3A_87, %dma_start3A_387] : memref<49152x128xf32, #tpu.memory_space<hbm>> -> memref<128x128xf32, #tpu.memory_space<hbm>>
      tpu.enqueue_dma source(%arg10 : memref<128x128xf32, #tpu.memory_space<vmem>>) target(%dma_start3A_388 : memref<128x128xf32, #tpu.memory_space<hbm>>) target_semaphore(%run_scoped3A : memref<!tpu.dma_semaphore, #tpu.memory_space<semaphore_mem>>)
      %dma_wait3A_389 = arith.constant 0 : i32
      %dma_wait3A_390 = tpu.memref_slice %arg6[%add3A_87, %dma_wait3A_389] : memref<49152x128xf32, #tpu.memory_space<hbm>> -> memref<128x128xf32, #tpu.memory_space<hbm>>
      %dma_wait3A_391 = arith.constant 0 : i32
      %dma_wait3A_392 = tpu.memref_slice %arg6[%add3A_87, %dma_wait3A_391] : memref<49152x128xf32, #tpu.memory_space<hbm>> -> memref<128x128xf32, #tpu.memory_space<hbm>>
      tpu.wait_dma2 semaphore(%run_scoped3A : memref<!tpu.dma_semaphore, #tpu.memory_space<semaphore_mem>>) src(%arg10 : memref<128x128xf32, #tpu.memory_space<vmem>>) dst(%dma_wait3A_392 : memref<128x128xf32, #tpu.memory_space<hbm>>)
      tpu.yield
    }) : () -> ()
    %dma_start3A_88 = arith.constant 6 : i32
    %dma_start3A_89 = arith.constant 0 : i32
    %dma_start3A_90 = tpu.memref_slice %arg8[%dma_start3A_88, %dma_start3A_89] : memref<16x128xi32, #tpu.memory_space<vmem>> -> memref<1x128xi32, #tpu.memory_space<vmem>>
    %dma_start3A_91 = tpu.memref_squeeze %dma_start3A_90 : memref<1x128xi32, #tpu.memory_space<vmem>> -> memref<128xi32, #tpu.memory_space<vmem>>
    %dma_start3A_92 = arith.constant 0 : i32
    %dma_start3A_93 = arith.constant 0 : i32
    %dma_start3A_94 = tpu.memref_slice %arg4[%dma_start3A_92, %dma_start3A_93] : memref<100000x128xf32, #tpu.memory_space<hbm>> -> memref<100000x128xf32, #tpu.memory_space<hbm>>
    tpu.enqueue_indirect_dma source(%dma_start3A_94 : memref<100000x128xf32, #tpu.memory_space<hbm>>) target(%arg10 : memref<128x128xf32, #tpu.memory_space<vmem>>) offsets(%dma_start3A_91 : memref<128xi32, #tpu.memory_space<vmem>>) semaphore(%arg12 : memref<!tpu.dma_semaphore, #tpu.memory_space<semaphore_mem>>)
    %dma_wait3A_95 = arith.constant 5 : i32
    %dma_wait3A_96 = arith.constant 0 : i32
    %dma_wait3A_97 = tpu.memref_slice %arg8[%dma_wait3A_95, %dma_wait3A_96] : memref<16x128xi32, #tpu.memory_space<vmem>> -> memref<1x128xi32, #tpu.memory_space<vmem>>
    %dma_wait3A_98 = tpu.memref_squeeze %dma_wait3A_97 : memref<1x128xi32, #tpu.memory_space<vmem>> -> memref<128xi32, #tpu.memory_space<vmem>>
    %dma_wait3A_99 = arith.constant 0 : i32
    %dma_wait3A_100 = arith.constant 0 : i32
    %dma_wait3A_101 = tpu.memref_slice %arg4[%dma_wait3A_99, %dma_wait3A_100] : memref<100000x128xf32, #tpu.memory_space<hbm>> -> memref<100000x128xf32, #tpu.memory_space<hbm>>
    tpu.wait_indirect_dma semaphore(%arg13 : memref<!tpu.dma_semaphore, #tpu.memory_space<semaphore_mem>>) src(%dma_wait3A_101 : memref<100000x128xf32, #tpu.memory_space<hbm>>) dst(%arg11 : memref<128x128xf32, #tpu.memory_space<vmem>>)
    %add3A_102 = arith.constant 640 : i32
    %add3A_103 = arith.addi %multiple_of3A, %add3A_102 : i32
    "tpu.region"() ({
      %run_scoped3A = tpu.sem_alloc : memref<!tpu.dma_semaphore, #tpu.memory_space<semaphore_mem>>
      %dma_start3A_385 = arith.constant 0 : i32
      %dma_start3A_386 = tpu.memref_slice %arg6[%add3A_103, %dma_start3A_385] : memref<49152x128xf32, #tpu.memory_space<hbm>> -> memref<128x128xf32, #tpu.memory_space<hbm>>
      %dma_start3A_387 = arith.constant 0 : i32
      %dma_start3A_388 = tpu.memref_slice %arg6[%add3A_103, %dma_start3A_387] : memref<49152x128xf32, #tpu.memory_space<hbm>> -> memref<128x128xf32, #tpu.memory_space<hbm>>
      tpu.enqueue_dma source(%arg11 : memref<128x128xf32, #tpu.memory_space<vmem>>) target(%dma_start3A_388 : memref<128x128xf32, #tpu.memory_space<hbm>>) target_semaphore(%run_scoped3A : memref<!tpu.dma_semaphore, #tpu.memory_space<semaphore_mem>>)
      %dma_wait3A_389 = arith.constant 0 : i32
      %dma_wait3A_390 = tpu.memref_slice %arg6[%add3A_103, %dma_wait3A_389] : memref<49152x128xf32, #tpu.memory_space<hbm>> -> memref<128x128xf32, #tpu.memory_space<hbm>>
      %dma_wait3A_391 = arith.constant 0 : i32
      %dma_wait3A_392 = tpu.memref_slice %arg6[%add3A_103, %dma_wait3A_391] : memref<49152x128xf32, #tpu.memory_space<hbm>> -> memref<128x128xf32, #tpu.memory_space<hbm>>
      tpu.wait_dma2 semaphore(%run_scoped3A : memref<!tpu.dma_semaphore, #tpu.memory_space<semaphore_mem>>) src(%arg11 : memref<128x128xf32, #tpu.memory_space<vmem>>) dst(%dma_wait3A_392 : memref<128x128xf32, #tpu.memory_space<hbm>>)
      tpu.yield
    }) : () -> ()
    %dma_start3A_104 = arith.constant 7 : i32
    %dma_start3A_105 = arith.constant 0 : i32
    %dma_start3A_106 = tpu.memref_slice %arg8[%dma_start3A_104, %dma_start3A_105] : memref<16x128xi32, #tpu.memory_space<vmem>> -> memref<1x128xi32, #tpu.memory_space<vmem>>
    %dma_start3A_107 = tpu.memref_squeeze %dma_start3A_106 : memref<1x128xi32, #tpu.memory_space<vmem>> -> memref<128xi32, #tpu.memory_space<vmem>>
    %dma_start3A_108 = arith.constant 0 : i32
    %dma_start3A_109 = arith.constant 0 : i32
    %dma_start3A_110 = tpu.memref_slice %arg4[%dma_start3A_108, %dma_start3A_109] : memref<100000x128xf32, #tpu.memory_space<hbm>> -> memref<100000x128xf32, #tpu.memory_space<hbm>>
    tpu.enqueue_indirect_dma source(%dma_start3A_110 : memref<100000x128xf32, #tpu.memory_space<hbm>>) target(%arg11 : memref<128x128xf32, #tpu.memory_space<vmem>>) offsets(%dma_start3A_107 : memref<128xi32, #tpu.memory_space<vmem>>) semaphore(%arg13 : memref<!tpu.dma_semaphore, #tpu.memory_space<semaphore_mem>>)
    %dma_wait3A_111 = arith.constant 6 : i32
    %dma_wait3A_112 = arith.constant 0 : i32
    %dma_wait3A_113 = tpu.memref_slice %arg8[%dma_wait3A_111, %dma_wait3A_112] : memref<16x128xi32, #tpu.memory_space<vmem>> -> memref<1x128xi32, #tpu.memory_space<vmem>>
    %dma_wait3A_114 = tpu.memref_squeeze %dma_wait3A_113 : memref<1x128xi32, #tpu.memory_space<vmem>> -> memref<128xi32, #tpu.memory_space<vmem>>
    %dma_wait3A_115 = arith.constant 0 : i32
    %dma_wait3A_116 = arith.constant 0 : i32
    %dma_wait3A_117 = tpu.memref_slice %arg4[%dma_wait3A_115, %dma_wait3A_116] : memref<100000x128xf32, #tpu.memory_space<hbm>> -> memref<100000x128xf32, #tpu.memory_space<hbm>>
    tpu.wait_indirect_dma semaphore(%arg12 : memref<!tpu.dma_semaphore, #tpu.memory_space<semaphore_mem>>) src(%dma_wait3A_117 : memref<100000x128xf32, #tpu.memory_space<hbm>>) dst(%arg10 : memref<128x128xf32, #tpu.memory_space<vmem>>)
    %add3A_118 = arith.constant 768 : i32
    %add3A_119 = arith.addi %multiple_of3A, %add3A_118 : i32
    "tpu.region"() ({
      %run_scoped3A = tpu.sem_alloc : memref<!tpu.dma_semaphore, #tpu.memory_space<semaphore_mem>>
      %dma_start3A_385 = arith.constant 0 : i32
      %dma_start3A_386 = tpu.memref_slice %arg6[%add3A_119, %dma_start3A_385] : memref<49152x128xf32, #tpu.memory_space<hbm>> -> memref<128x128xf32, #tpu.memory_space<hbm>>
      %dma_start3A_387 = arith.constant 0 : i32
      %dma_start3A_388 = tpu.memref_slice %arg6[%add3A_119, %dma_start3A_387] : memref<49152x128xf32, #tpu.memory_space<hbm>> -> memref<128x128xf32, #tpu.memory_space<hbm>>
      tpu.enqueue_dma source(%arg10 : memref<128x128xf32, #tpu.memory_space<vmem>>) target(%dma_start3A_388 : memref<128x128xf32, #tpu.memory_space<hbm>>) target_semaphore(%run_scoped3A : memref<!tpu.dma_semaphore, #tpu.memory_space<semaphore_mem>>)
      %dma_wait3A_389 = arith.constant 0 : i32
      %dma_wait3A_390 = tpu.memref_slice %arg6[%add3A_119, %dma_wait3A_389] : memref<49152x128xf32, #tpu.memory_space<hbm>> -> memref<128x128xf32, #tpu.memory_space<hbm>>
      %dma_wait3A_391 = arith.constant 0 : i32
      %dma_wait3A_392 = tpu.memref_slice %arg6[%add3A_119, %dma_wait3A_391] : memref<49152x128xf32, #tpu.memory_space<hbm>> -> memref<128x128xf32, #tpu.memory_space<hbm>>
      tpu.wait_dma2 semaphore(%run_scoped3A : memref<!tpu.dma_semaphore, #tpu.memory_space<semaphore_mem>>) src(%arg10 : memref<128x128xf32, #tpu.memory_space<vmem>>) dst(%dma_wait3A_392 : memref<128x128xf32, #tpu.memory_space<hbm>>)
      tpu.yield
    }) : () -> ()
    %dma_start3A_120 = arith.constant 8 : i32
    %dma_start3A_121 = arith.constant 0 : i32
    %dma_start3A_122 = tpu.memref_slice %arg8[%dma_start3A_120, %dma_start3A_121] : memref<16x128xi32, #tpu.memory_space<vmem>> -> memref<1x128xi32, #tpu.memory_space<vmem>>
    %dma_start3A_123 = tpu.memref_squeeze %dma_start3A_122 : memref<1x128xi32, #tpu.memory_space<vmem>> -> memref<128xi32, #tpu.memory_space<vmem>>
    %dma_start3A_124 = arith.constant 0 : i32
    %dma_start3A_125 = arith.constant 0 : i32
    %dma_start3A_126 = tpu.memref_slice %arg4[%dma_start3A_124, %dma_start3A_125] : memref<100000x128xf32, #tpu.memory_space<hbm>> -> memref<100000x128xf32, #tpu.memory_space<hbm>>
    tpu.enqueue_indirect_dma source(%dma_start3A_126 : memref<100000x128xf32, #tpu.memory_space<hbm>>) target(%arg10 : memref<128x128xf32, #tpu.memory_space<vmem>>) offsets(%dma_start3A_123 : memref<128xi32, #tpu.memory_space<vmem>>) semaphore(%arg12 : memref<!tpu.dma_semaphore, #tpu.memory_space<semaphore_mem>>)
    %dma_wait3A_127 = arith.constant 7 : i32
    %dma_wait3A_128 = arith.constant 0 : i32
    %dma_wait3A_129 = tpu.memref_slice %arg8[%dma_wait3A_127, %dma_wait3A_128] : memref<16x128xi32, #tpu.memory_space<vmem>> -> memref<1x128xi32, #tpu.memory_space<vmem>>
    %dma_wait3A_130 = tpu.memref_squeeze %dma_wait3A_129 : memref<1x128xi32, #tpu.memory_space<vmem>> -> memref<128xi32, #tpu.memory_space<vmem>>
    %dma_wait3A_131 = arith.constant 0 : i32
    %dma_wait3A_132 = arith.constant 0 : i32
    %dma_wait3A_133 = tpu.memref_slice %arg4[%dma_wait3A_131, %dma_wait3A_132] : memref<100000x128xf32, #tpu.memory_space<hbm>> -> memref<100000x128xf32, #tpu.memory_space<hbm>>
    tpu.wait_indirect_dma semaphore(%arg13 : memref<!tpu.dma_semaphore, #tpu.memory_space<semaphore_mem>>) src(%dma_wait3A_133 : memref<100000x128xf32, #tpu.memory_space<hbm>>) dst(%arg11 : memref<128x128xf32, #tpu.memory_space<vmem>>)
    %add3A_134 = arith.constant 896 : i32
    %add3A_135 = arith.addi %multiple_of3A, %add3A_134 : i32
    "tpu.region"() ({
      %run_scoped3A = tpu.sem_alloc : memref<!tpu.dma_semaphore, #tpu.memory_space<semaphore_mem>>
      %dma_start3A_385 = arith.constant 0 : i32
      %dma_start3A_386 = tpu.memref_slice %arg6[%add3A_135, %dma_start3A_385] : memref<49152x128xf32, #tpu.memory_space<hbm>> -> memref<128x128xf32, #tpu.memory_space<hbm>>
      %dma_start3A_387 = arith.constant 0 : i32
      %dma_start3A_388 = tpu.memref_slice %arg6[%add3A_135, %dma_start3A_387] : memref<49152x128xf32, #tpu.memory_space<hbm>> -> memref<128x128xf32, #tpu.memory_space<hbm>>
      tpu.enqueue_dma source(%arg11 : memref<128x128xf32, #tpu.memory_space<vmem>>) target(%dma_start3A_388 : memref<128x128xf32, #tpu.memory_space<hbm>>) target_semaphore(%run_scoped3A : memref<!tpu.dma_semaphore, #tpu.memory_space<semaphore_mem>>)
      %dma_wait3A_389 = arith.constant 0 : i32
      %dma_wait3A_390 = tpu.memref_slice %arg6[%add3A_135, %dma_wait3A_389] : memref<49152x128xf32, #tpu.memory_space<hbm>> -> memref<128x128xf32, #tpu.memory_space<hbm>>
      %dma_wait3A_391 = arith.constant 0 : i32
      %dma_wait3A_392 = tpu.memref_slice %arg6[%add3A_135, %dma_wait3A_391] : memref<49152x128xf32, #tpu.memory_space<hbm>> -> memref<128x128xf32, #tpu.memory_space<hbm>>
      tpu.wait_dma2 semaphore(%run_scoped3A : memref<!tpu.dma_semaphore, #tpu.memory_space<semaphore_mem>>) src(%arg11 : memref<128x128xf32, #tpu.memory_space<vmem>>) dst(%dma_wait3A_392 : memref<128x128xf32, #tpu.memory_space<hbm>>)
      tpu.yield
    }) : () -> ()
    %dma_start3A_136 = arith.constant 9 : i32
    %dma_start3A_137 = arith.constant 0 : i32
    %dma_start3A_138 = tpu.memref_slice %arg8[%dma_start3A_136, %dma_start3A_137] : memref<16x128xi32, #tpu.memory_space<vmem>> -> memref<1x128xi32, #tpu.memory_space<vmem>>
    %dma_start3A_139 = tpu.memref_squeeze %dma_start3A_138 : memref<1x128xi32, #tpu.memory_space<vmem>> -> memref<128xi32, #tpu.memory_space<vmem>>
    %dma_start3A_140 = arith.constant 0 : i32
    %dma_start3A_141 = arith.constant 0 : i32
    %dma_start3A_142 = tpu.memref_slice %arg4[%dma_start3A_140, %dma_start3A_141] : memref<100000x128xf32, #tpu.memory_space<hbm>> -> memref<100000x128xf32, #tpu.memory_space<hbm>>
    tpu.enqueue_indirect_dma source(%dma_start3A_142 : memref<100000x128xf32, #tpu.memory_space<hbm>>) target(%arg11 : memref<128x128xf32, #tpu.memory_space<vmem>>) offsets(%dma_start3A_139 : memref<128xi32, #tpu.memory_space<vmem>>) semaphore(%arg13 : memref<!tpu.dma_semaphore, #tpu.memory_space<semaphore_mem>>)
    %dma_wait3A_143 = arith.constant 8 : i32
    %dma_wait3A_144 = arith.constant 0 : i32
    %dma_wait3A_145 = tpu.memref_slice %arg8[%dma_wait3A_143, %dma_wait3A_144] : memref<16x128xi32, #tpu.memory_space<vmem>> -> memref<1x128xi32, #tpu.memory_space<vmem>>
    %dma_wait3A_146 = tpu.memref_squeeze %dma_wait3A_145 : memref<1x128xi32, #tpu.memory_space<vmem>> -> memref<128xi32, #tpu.memory_space<vmem>>
    %dma_wait3A_147 = arith.constant 0 : i32
    %dma_wait3A_148 = arith.constant 0 : i32
    %dma_wait3A_149 = tpu.memref_slice %arg4[%dma_wait3A_147, %dma_wait3A_148] : memref<100000x128xf32, #tpu.memory_space<hbm>> -> memref<100000x128xf32, #tpu.memory_space<hbm>>
    tpu.wait_indirect_dma semaphore(%arg12 : memref<!tpu.dma_semaphore, #tpu.memory_space<semaphore_mem>>) src(%dma_wait3A_149 : memref<100000x128xf32, #tpu.memory_space<hbm>>) dst(%arg10 : memref<128x128xf32, #tpu.memory_space<vmem>>)
    %add3A_150 = arith.constant 1024 : i32
    %add3A_151 = arith.addi %multiple_of3A, %add3A_150 : i32
    "tpu.region"() ({
      %run_scoped3A = tpu.sem_alloc : memref<!tpu.dma_semaphore, #tpu.memory_space<semaphore_mem>>
      %dma_start3A_385 = arith.constant 0 : i32
      %dma_start3A_386 = tpu.memref_slice %arg6[%add3A_151, %dma_start3A_385] : memref<49152x128xf32, #tpu.memory_space<hbm>> -> memref<128x128xf32, #tpu.memory_space<hbm>>
      %dma_start3A_387 = arith.constant 0 : i32
      %dma_start3A_388 = tpu.memref_slice %arg6[%add3A_151, %dma_start3A_387] : memref<49152x128xf32, #tpu.memory_space<hbm>> -> memref<128x128xf32, #tpu.memory_space<hbm>>
      tpu.enqueue_dma source(%arg10 : memref<128x128xf32, #tpu.memory_space<vmem>>) target(%dma_start3A_388 : memref<128x128xf32, #tpu.memory_space<hbm>>) target_semaphore(%run_scoped3A : memref<!tpu.dma_semaphore, #tpu.memory_space<semaphore_mem>>)
      %dma_wait3A_389 = arith.constant 0 : i32
      %dma_wait3A_390 = tpu.memref_slice %arg6[%add3A_151, %dma_wait3A_389] : memref<49152x128xf32, #tpu.memory_space<hbm>> -> memref<128x128xf32, #tpu.memory_space<hbm>>
      %dma_wait3A_391 = arith.constant 0 : i32
      %dma_wait3A_392 = tpu.memref_slice %arg6[%add3A_151, %dma_wait3A_391] : memref<49152x128xf32, #tpu.memory_space<hbm>> -> memref<128x128xf32, #tpu.memory_space<hbm>>
      tpu.wait_dma2 semaphore(%run_scoped3A : memref<!tpu.dma_semaphore, #tpu.memory_space<semaphore_mem>>) src(%arg10 : memref<128x128xf32, #tpu.memory_space<vmem>>) dst(%dma_wait3A_392 : memref<128x128xf32, #tpu.memory_space<hbm>>)
      tpu.yield
    }) : () -> ()
    %dma_start3A_152 = arith.constant 10 : i32
    %dma_start3A_153 = arith.constant 0 : i32
    %dma_start3A_154 = tpu.memref_slice %arg8[%dma_start3A_152, %dma_start3A_153] : memref<16x128xi32, #tpu.memory_space<vmem>> -> memref<1x128xi32, #tpu.memory_space<vmem>>
    %dma_start3A_155 = tpu.memref_squeeze %dma_start3A_154 : memref<1x128xi32, #tpu.memory_space<vmem>> -> memref<128xi32, #tpu.memory_space<vmem>>
    %dma_start3A_156 = arith.constant 0 : i32
    %dma_start3A_157 = arith.constant 0 : i32
    %dma_start3A_158 = tpu.memref_slice %arg4[%dma_start3A_156, %dma_start3A_157] : memref<100000x128xf32, #tpu.memory_space<hbm>> -> memref<100000x128xf32, #tpu.memory_space<hbm>>
    tpu.enqueue_indirect_dma source(%dma_start3A_158 : memref<100000x128xf32, #tpu.memory_space<hbm>>) target(%arg10 : memref<128x128xf32, #tpu.memory_space<vmem>>) offsets(%dma_start3A_155 : memref<128xi32, #tpu.memory_space<vmem>>) semaphore(%arg12 : memref<!tpu.dma_semaphore, #tpu.memory_space<semaphore_mem>>)
    %dma_wait3A_159 = arith.constant 9 : i32
    %dma_wait3A_160 = arith.constant 0 : i32
    %dma_wait3A_161 = tpu.memref_slice %arg8[%dma_wait3A_159, %dma_wait3A_160] : memref<16x128xi32, #tpu.memory_space<vmem>> -> memref<1x128xi32, #tpu.memory_space<vmem>>
    %dma_wait3A_162 = tpu.memref_squeeze %dma_wait3A_161 : memref<1x128xi32, #tpu.memory_space<vmem>> -> memref<128xi32, #tpu.memory_space<vmem>>
    %dma_wait3A_163 = arith.constant 0 : i32
    %dma_wait3A_164 = arith.constant 0 : i32
    %dma_wait3A_165 = tpu.memref_slice %arg4[%dma_wait3A_163, %dma_wait3A_164] : memref<100000x128xf32, #tpu.memory_space<hbm>> -> memref<100000x128xf32, #tpu.memory_space<hbm>>
    tpu.wait_indirect_dma semaphore(%arg13 : memref<!tpu.dma_semaphore, #tpu.memory_space<semaphore_mem>>) src(%dma_wait3A_165 : memref<100000x128xf32, #tpu.memory_space<hbm>>) dst(%arg11 : memref<128x128xf32, #tpu.memory_space<vmem>>)
    %add3A_166 = arith.constant 1152 : i32
    %add3A_167 = arith.addi %multiple_of3A, %add3A_166 : i32
    "tpu.region"() ({
      %run_scoped3A = tpu.sem_alloc : memref<!tpu.dma_semaphore, #tpu.memory_space<semaphore_mem>>
      %dma_start3A_385 = arith.constant 0 : i32
      %dma_start3A_386 = tpu.memref_slice %arg6[%add3A_167, %dma_start3A_385] : memref<49152x128xf32, #tpu.memory_space<hbm>> -> memref<128x128xf32, #tpu.memory_space<hbm>>
      %dma_start3A_387 = arith.constant 0 : i32
      %dma_start3A_388 = tpu.memref_slice %arg6[%add3A_167, %dma_start3A_387] : memref<49152x128xf32, #tpu.memory_space<hbm>> -> memref<128x128xf32, #tpu.memory_space<hbm>>
      tpu.enqueue_dma source(%arg11 : memref<128x128xf32, #tpu.memory_space<vmem>>) target(%dma_start3A_388 : memref<128x128xf32, #tpu.memory_space<hbm>>) target_semaphore(%run_scoped3A : memref<!tpu.dma_semaphore, #tpu.memory_space<semaphore_mem>>)
      %dma_wait3A_389 = arith.constant 0 : i32
      %dma_wait3A_390 = tpu.memref_slice %arg6[%add3A_167, %dma_wait3A_389] : memref<49152x128xf32, #tpu.memory_space<hbm>> -> memref<128x128xf32, #tpu.memory_space<hbm>>
      %dma_wait3A_391 = arith.constant 0 : i32
      %dma_wait3A_392 = tpu.memref_slice %arg6[%add3A_167, %dma_wait3A_391] : memref<49152x128xf32, #tpu.memory_space<hbm>> -> memref<128x128xf32, #tpu.memory_space<hbm>>
      tpu.wait_dma2 semaphore(%run_scoped3A : memref<!tpu.dma_semaphore, #tpu.memory_space<semaphore_mem>>) src(%arg11 : memref<128x128xf32, #tpu.memory_space<vmem>>) dst(%dma_wait3A_392 : memref<128x128xf32, #tpu.memory_space<hbm>>)
      tpu.yield
    }) : () -> ()
    %dma_start3A_168 = arith.constant 11 : i32
    %dma_start3A_169 = arith.constant 0 : i32
    %dma_start3A_170 = tpu.memref_slice %arg8[%dma_start3A_168, %dma_start3A_169] : memref<16x128xi32, #tpu.memory_space<vmem>> -> memref<1x128xi32, #tpu.memory_space<vmem>>
    %dma_start3A_171 = tpu.memref_squeeze %dma_start3A_170 : memref<1x128xi32, #tpu.memory_space<vmem>> -> memref<128xi32, #tpu.memory_space<vmem>>
    %dma_start3A_172 = arith.constant 0 : i32
    %dma_start3A_173 = arith.constant 0 : i32
    %dma_start3A_174 = tpu.memref_slice %arg4[%dma_start3A_172, %dma_start3A_173] : memref<100000x128xf32, #tpu.memory_space<hbm>> -> memref<100000x128xf32, #tpu.memory_space<hbm>>
    tpu.enqueue_indirect_dma source(%dma_start3A_174 : memref<100000x128xf32, #tpu.memory_space<hbm>>) target(%arg11 : memref<128x128xf32, #tpu.memory_space<vmem>>) offsets(%dma_start3A_171 : memref<128xi32, #tpu.memory_space<vmem>>) semaphore(%arg13 : memref<!tpu.dma_semaphore, #tpu.memory_space<semaphore_mem>>)
    %dma_wait3A_175 = arith.constant 10 : i32
    %dma_wait3A_176 = arith.constant 0 : i32
    %dma_wait3A_177 = tpu.memref_slice %arg8[%dma_wait3A_175, %dma_wait3A_176] : memref<16x128xi32, #tpu.memory_space<vmem>> -> memref<1x128xi32, #tpu.memory_space<vmem>>
    %dma_wait3A_178 = tpu.memref_squeeze %dma_wait3A_177 : memref<1x128xi32, #tpu.memory_space<vmem>> -> memref<128xi32, #tpu.memory_space<vmem>>
    %dma_wait3A_179 = arith.constant 0 : i32
    %dma_wait3A_180 = arith.constant 0 : i32
    %dma_wait3A_181 = tpu.memref_slice %arg4[%dma_wait3A_179, %dma_wait3A_180] : memref<100000x128xf32, #tpu.memory_space<hbm>> -> memref<100000x128xf32, #tpu.memory_space<hbm>>
    tpu.wait_indirect_dma semaphore(%arg12 : memref<!tpu.dma_semaphore, #tpu.memory_space<semaphore_mem>>) src(%dma_wait3A_181 : memref<100000x128xf32, #tpu.memory_space<hbm>>) dst(%arg10 : memref<128x128xf32, #tpu.memory_space<vmem>>)
    %add3A_182 = arith.constant 1280 : i32
    %add3A_183 = arith.addi %multiple_of3A, %add3A_182 : i32
    "tpu.region"() ({
      %run_scoped3A = tpu.sem_alloc : memref<!tpu.dma_semaphore, #tpu.memory_space<semaphore_mem>>
      %dma_start3A_385 = arith.constant 0 : i32
      %dma_start3A_386 = tpu.memref_slice %arg6[%add3A_183, %dma_start3A_385] : memref<49152x128xf32, #tpu.memory_space<hbm>> -> memref<128x128xf32, #tpu.memory_space<hbm>>
      %dma_start3A_387 = arith.constant 0 : i32
      %dma_start3A_388 = tpu.memref_slice %arg6[%add3A_183, %dma_start3A_387] : memref<49152x128xf32, #tpu.memory_space<hbm>> -> memref<128x128xf32, #tpu.memory_space<hbm>>
      tpu.enqueue_dma source(%arg10 : memref<128x128xf32, #tpu.memory_space<vmem>>) target(%dma_start3A_388 : memref<128x128xf32, #tpu.memory_space<hbm>>) target_semaphore(%run_scoped3A : memref<!tpu.dma_semaphore, #tpu.memory_space<semaphore_mem>>)
      %dma_wait3A_389 = arith.constant 0 : i32
      %dma_wait3A_390 = tpu.memref_slice %arg6[%add3A_183, %dma_wait3A_389] : memref<49152x128xf32, #tpu.memory_space<hbm>> -> memref<128x128xf32, #tpu.memory_space<hbm>>
      %dma_wait3A_391 = arith.constant 0 : i32
      %dma_wait3A_392 = tpu.memref_slice %arg6[%add3A_183, %dma_wait3A_391] : memref<49152x128xf32, #tpu.memory_space<hbm>> -> memref<128x128xf32, #tpu.memory_space<hbm>>
      tpu.wait_dma2 semaphore(%run_scoped3A : memref<!tpu.dma_semaphore, #tpu.memory_space<semaphore_mem>>) src(%arg10 : memref<128x128xf32, #tpu.memory_space<vmem>>) dst(%dma_wait3A_392 : memref<128x128xf32, #tpu.memory_space<hbm>>)
      tpu.yield
    }) : () -> ()
    %dma_wait3A_184 = arith.constant 11 : i32
    %dma_wait3A_185 = arith.constant 0 : i32
    %dma_wait3A_186 = tpu.memref_slice %arg8[%dma_wait3A_184, %dma_wait3A_185] : memref<16x128xi32, #tpu.memory_space<vmem>> -> memref<1x128xi32, #tpu.memory_space<vmem>>
    %dma_wait3A_187 = tpu.memref_squeeze %dma_wait3A_186 : memref<1x128xi32, #tpu.memory_space<vmem>> -> memref<128xi32, #tpu.memory_space<vmem>>
    %dma_wait3A_188 = arith.constant 0 : i32
    %dma_wait3A_189 = arith.constant 0 : i32
    %dma_wait3A_190 = tpu.memref_slice %arg4[%dma_wait3A_188, %dma_wait3A_189] : memref<100000x128xf32, #tpu.memory_space<hbm>> -> memref<100000x128xf32, #tpu.memory_space<hbm>>
    tpu.wait_indirect_dma semaphore(%arg13 : memref<!tpu.dma_semaphore, #tpu.memory_space<semaphore_mem>>) src(%dma_wait3A_190 : memref<100000x128xf32, #tpu.memory_space<hbm>>) dst(%arg11 : memref<128x128xf32, #tpu.memory_space<vmem>>)
    %add3A_191 = arith.constant 1408 : i32
    %add3A_192 = arith.addi %multiple_of3A, %add3A_191 : i32
    "tpu.region"() ({
      %run_scoped3A = tpu.sem_alloc : memref<!tpu.dma_semaphore, #tpu.memory_space<semaphore_mem>>
      %dma_start3A_385 = arith.constant 0 : i32
      %dma_start3A_386 = tpu.memref_slice %arg6[%add3A_192, %dma_start3A_385] : memref<49152x128xf32, #tpu.memory_space<hbm>> -> memref<128x128xf32, #tpu.memory_space<hbm>>
      %dma_start3A_387 = arith.constant 0 : i32
      %dma_start3A_388 = tpu.memref_slice %arg6[%add3A_192, %dma_start3A_387] : memref<49152x128xf32, #tpu.memory_space<hbm>> -> memref<128x128xf32, #tpu.memory_space<hbm>>
      tpu.enqueue_dma source(%arg11 : memref<128x128xf32, #tpu.memory_space<vmem>>) target(%dma_start3A_388 : memref<128x128xf32, #tpu.memory_space<hbm>>) target_semaphore(%run_scoped3A : memref<!tpu.dma_semaphore, #tpu.memory_space<semaphore_mem>>)
      %dma_wait3A_389 = arith.constant 0 : i32
      %dma_wait3A_390 = tpu.memref_slice %arg6[%add3A_192, %dma_wait3A_389] : memref<49152x128xf32, #tpu.memory_space<hbm>> -> memref<128x128xf32, #tpu.memory_space<hbm>>
      %dma_wait3A_391 = arith.constant 0 : i32
      %dma_wait3A_392 = tpu.memref_slice %arg6[%add3A_192, %dma_wait3A_391] : memref<49152x128xf32, #tpu.memory_space<hbm>> -> memref<128x128xf32, #tpu.memory_space<hbm>>
      tpu.wait_dma2 semaphore(%run_scoped3A : memref<!tpu.dma_semaphore, #tpu.memory_space<semaphore_mem>>) src(%arg11 : memref<128x128xf32, #tpu.memory_space<vmem>>) dst(%dma_wait3A_392 : memref<128x128xf32, #tpu.memory_space<hbm>>)
      tpu.yield
    }) : () -> ()
    %dma_start3A_193 = arith.constant 0 : i32
    %dma_start3A_194 = arith.constant 0 : i32
    %dma_start3A_195 = tpu.memref_slice %arg9[%dma_start3A_193, %dma_start3A_194] : memref<16x128xi32, #tpu.memory_space<vmem>> -> memref<1x128xi32, #tpu.memory_space<vmem>>
    %dma_start3A_196 = tpu.memref_squeeze %dma_start3A_195 : memref<1x128xi32, #tpu.memory_space<vmem>> -> memref<128xi32, #tpu.memory_space<vmem>>
    %dma_start3A_197 = arith.constant 0 : i32
    %dma_start3A_198 = arith.constant 0 : i32
    %dma_start3A_199 = tpu.memref_slice %arg5[%dma_start3A_197, %dma_start3A_198] : memref<1000000x128xf32, #tpu.memory_space<hbm>> -> memref<1000000x128xf32, #tpu.memory_space<hbm>>
    tpu.enqueue_indirect_dma source(%dma_start3A_199 : memref<1000000x128xf32, #tpu.memory_space<hbm>>) target(%arg10 : memref<128x128xf32, #tpu.memory_space<vmem>>) offsets(%dma_start3A_196 : memref<128xi32, #tpu.memory_space<vmem>>) semaphore(%arg12 : memref<!tpu.dma_semaphore, #tpu.memory_space<semaphore_mem>>)
    %dma_start3A_200 = arith.constant 1 : i32
    %dma_start3A_201 = arith.constant 0 : i32
    %dma_start3A_202 = tpu.memref_slice %arg9[%dma_start3A_200, %dma_start3A_201] : memref<16x128xi32, #tpu.memory_space<vmem>> -> memref<1x128xi32, #tpu.memory_space<vmem>>
    %dma_start3A_203 = tpu.memref_squeeze %dma_start3A_202 : memref<1x128xi32, #tpu.memory_space<vmem>> -> memref<128xi32, #tpu.memory_space<vmem>>
    %dma_start3A_204 = arith.constant 0 : i32
    %dma_start3A_205 = arith.constant 0 : i32
    %dma_start3A_206 = tpu.memref_slice %arg5[%dma_start3A_204, %dma_start3A_205] : memref<1000000x128xf32, #tpu.memory_space<hbm>> -> memref<1000000x128xf32, #tpu.memory_space<hbm>>
    tpu.enqueue_indirect_dma source(%dma_start3A_206 : memref<1000000x128xf32, #tpu.memory_space<hbm>>) target(%arg11 : memref<128x128xf32, #tpu.memory_space<vmem>>) offsets(%dma_start3A_203 : memref<128xi32, #tpu.memory_space<vmem>>) semaphore(%arg13 : memref<!tpu.dma_semaphore, #tpu.memory_space<semaphore_mem>>)
    %dma_wait3A_207 = arith.constant 0 : i32
    %dma_wait3A_208 = arith.constant 0 : i32
    %dma_wait3A_209 = tpu.memref_slice %arg9[%dma_wait3A_207, %dma_wait3A_208] : memref<16x128xi32, #tpu.memory_space<vmem>> -> memref<1x128xi32, #tpu.memory_space<vmem>>
    %dma_wait3A_210 = tpu.memref_squeeze %dma_wait3A_209 : memref<1x128xi32, #tpu.memory_space<vmem>> -> memref<128xi32, #tpu.memory_space<vmem>>
    %dma_wait3A_211 = arith.constant 0 : i32
    %dma_wait3A_212 = arith.constant 0 : i32
    %dma_wait3A_213 = tpu.memref_slice %arg5[%dma_wait3A_211, %dma_wait3A_212] : memref<1000000x128xf32, #tpu.memory_space<hbm>> -> memref<1000000x128xf32, #tpu.memory_space<hbm>>
    tpu.wait_indirect_dma semaphore(%arg12 : memref<!tpu.dma_semaphore, #tpu.memory_space<semaphore_mem>>) src(%dma_wait3A_213 : memref<1000000x128xf32, #tpu.memory_space<hbm>>) dst(%arg10 : memref<128x128xf32, #tpu.memory_space<vmem>>)
    %add3A_214 = arith.constant 0 : i32
    %add3A_215 = arith.addi %multiple_of3A, %add3A_214 : i32
    "tpu.region"() ({
      %run_scoped3A = tpu.sem_alloc : memref<!tpu.dma_semaphore, #tpu.memory_space<semaphore_mem>>
      %dma_start3A_385 = arith.constant 0 : i32
      %dma_start3A_386 = tpu.memref_slice %arg7[%add3A_215, %dma_start3A_385] : memref<49152x128xf32, #tpu.memory_space<hbm>> -> memref<128x128xf32, #tpu.memory_space<hbm>>
      %dma_start3A_387 = arith.constant 0 : i32
      %dma_start3A_388 = tpu.memref_slice %arg7[%add3A_215, %dma_start3A_387] : memref<49152x128xf32, #tpu.memory_space<hbm>> -> memref<128x128xf32, #tpu.memory_space<hbm>>
      tpu.enqueue_dma source(%arg10 : memref<128x128xf32, #tpu.memory_space<vmem>>) target(%dma_start3A_388 : memref<128x128xf32, #tpu.memory_space<hbm>>) target_semaphore(%run_scoped3A : memref<!tpu.dma_semaphore, #tpu.memory_space<semaphore_mem>>)
      %dma_wait3A_389 = arith.constant 0 : i32
      %dma_wait3A_390 = tpu.memref_slice %arg7[%add3A_215, %dma_wait3A_389] : memref<49152x128xf32, #tpu.memory_space<hbm>> -> memref<128x128xf32, #tpu.memory_space<hbm>>
      %dma_wait3A_391 = arith.constant 0 : i32
      %dma_wait3A_392 = tpu.memref_slice %arg7[%add3A_215, %dma_wait3A_391] : memref<49152x128xf32, #tpu.memory_space<hbm>> -> memref<128x128xf32, #tpu.memory_space<hbm>>
      tpu.wait_dma2 semaphore(%run_scoped3A : memref<!tpu.dma_semaphore, #tpu.memory_space<semaphore_mem>>) src(%arg10 : memref<128x128xf32, #tpu.memory_space<vmem>>) dst(%dma_wait3A_392 : memref<128x128xf32, #tpu.memory_space<hbm>>)
      tpu.yield
    }) : () -> ()
    %dma_start3A_216 = arith.constant 2 : i32
    %dma_start3A_217 = arith.constant 0 : i32
    %dma_start3A_218 = tpu.memref_slice %arg9[%dma_start3A_216, %dma_start3A_217] : memref<16x128xi32, #tpu.memory_space<vmem>> -> memref<1x128xi32, #tpu.memory_space<vmem>>
    %dma_start3A_219 = tpu.memref_squeeze %dma_start3A_218 : memref<1x128xi32, #tpu.memory_space<vmem>> -> memref<128xi32, #tpu.memory_space<vmem>>
    %dma_start3A_220 = arith.constant 0 : i32
    %dma_start3A_221 = arith.constant 0 : i32
    %dma_start3A_222 = tpu.memref_slice %arg5[%dma_start3A_220, %dma_start3A_221] : memref<1000000x128xf32, #tpu.memory_space<hbm>> -> memref<1000000x128xf32, #tpu.memory_space<hbm>>
    tpu.enqueue_indirect_dma source(%dma_start3A_222 : memref<1000000x128xf32, #tpu.memory_space<hbm>>) target(%arg10 : memref<128x128xf32, #tpu.memory_space<vmem>>) offsets(%dma_start3A_219 : memref<128xi32, #tpu.memory_space<vmem>>) semaphore(%arg12 : memref<!tpu.dma_semaphore, #tpu.memory_space<semaphore_mem>>)
    %dma_wait3A_223 = arith.constant 1 : i32
    %dma_wait3A_224 = arith.constant 0 : i32
    %dma_wait3A_225 = tpu.memref_slice %arg9[%dma_wait3A_223, %dma_wait3A_224] : memref<16x128xi32, #tpu.memory_space<vmem>> -> memref<1x128xi32, #tpu.memory_space<vmem>>
    %dma_wait3A_226 = tpu.memref_squeeze %dma_wait3A_225 : memref<1x128xi32, #tpu.memory_space<vmem>> -> memref<128xi32, #tpu.memory_space<vmem>>
    %dma_wait3A_227 = arith.constant 0 : i32
    %dma_wait3A_228 = arith.constant 0 : i32
    %dma_wait3A_229 = tpu.memref_slice %arg5[%dma_wait3A_227, %dma_wait3A_228] : memref<1000000x128xf32, #tpu.memory_space<hbm>> -> memref<1000000x128xf32, #tpu.memory_space<hbm>>
    tpu.wait_indirect_dma semaphore(%arg13 : memref<!tpu.dma_semaphore, #tpu.memory_space<semaphore_mem>>) src(%dma_wait3A_229 : memref<1000000x128xf32, #tpu.memory_space<hbm>>) dst(%arg11 : memref<128x128xf32, #tpu.memory_space<vmem>>)
    %add3A_230 = arith.constant 128 : i32
    %add3A_231 = arith.addi %multiple_of3A, %add3A_230 : i32
    "tpu.region"() ({
      %run_scoped3A = tpu.sem_alloc : memref<!tpu.dma_semaphore, #tpu.memory_space<semaphore_mem>>
      %dma_start3A_385 = arith.constant 0 : i32
      %dma_start3A_386 = tpu.memref_slice %arg7[%add3A_231, %dma_start3A_385] : memref<49152x128xf32, #tpu.memory_space<hbm>> -> memref<128x128xf32, #tpu.memory_space<hbm>>
      %dma_start3A_387 = arith.constant 0 : i32
      %dma_start3A_388 = tpu.memref_slice %arg7[%add3A_231, %dma_start3A_387] : memref<49152x128xf32, #tpu.memory_space<hbm>> -> memref<128x128xf32, #tpu.memory_space<hbm>>
      tpu.enqueue_dma source(%arg11 : memref<128x128xf32, #tpu.memory_space<vmem>>) target(%dma_start3A_388 : memref<128x128xf32, #tpu.memory_space<hbm>>) target_semaphore(%run_scoped3A : memref<!tpu.dma_semaphore, #tpu.memory_space<semaphore_mem>>)
      %dma_wait3A_389 = arith.constant 0 : i32
      %dma_wait3A_390 = tpu.memref_slice %arg7[%add3A_231, %dma_wait3A_389] : memref<49152x128xf32, #tpu.memory_space<hbm>> -> memref<128x128xf32, #tpu.memory_space<hbm>>
      %dma_wait3A_391 = arith.constant 0 : i32
      %dma_wait3A_392 = tpu.memref_slice %arg7[%add3A_231, %dma_wait3A_391] : memref<49152x128xf32, #tpu.memory_space<hbm>> -> memref<128x128xf32, #tpu.memory_space<hbm>>
      tpu.wait_dma2 semaphore(%run_scoped3A : memref<!tpu.dma_semaphore, #tpu.memory_space<semaphore_mem>>) src(%arg11 : memref<128x128xf32, #tpu.memory_space<vmem>>) dst(%dma_wait3A_392 : memref<128x128xf32, #tpu.memory_space<hbm>>)
      tpu.yield
    }) : () -> ()
    %dma_start3A_232 = arith.constant 3 : i32
    %dma_start3A_233 = arith.constant 0 : i32
    %dma_start3A_234 = tpu.memref_slice %arg9[%dma_start3A_232, %dma_start3A_233] : memref<16x128xi32, #tpu.memory_space<vmem>> -> memref<1x128xi32, #tpu.memory_space<vmem>>
    %dma_start3A_235 = tpu.memref_squeeze %dma_start3A_234 : memref<1x128xi32, #tpu.memory_space<vmem>> -> memref<128xi32, #tpu.memory_space<vmem>>
    %dma_start3A_236 = arith.constant 0 : i32
    %dma_start3A_237 = arith.constant 0 : i32
    %dma_start3A_238 = tpu.memref_slice %arg5[%dma_start3A_236, %dma_start3A_237] : memref<1000000x128xf32, #tpu.memory_space<hbm>> -> memref<1000000x128xf32, #tpu.memory_space<hbm>>
    tpu.enqueue_indirect_dma source(%dma_start3A_238 : memref<1000000x128xf32, #tpu.memory_space<hbm>>) target(%arg11 : memref<128x128xf32, #tpu.memory_space<vmem>>) offsets(%dma_start3A_235 : memref<128xi32, #tpu.memory_space<vmem>>) semaphore(%arg13 : memref<!tpu.dma_semaphore, #tpu.memory_space<semaphore_mem>>)
    %dma_wait3A_239 = arith.constant 2 : i32
    %dma_wait3A_240 = arith.constant 0 : i32
    %dma_wait3A_241 = tpu.memref_slice %arg9[%dma_wait3A_239, %dma_wait3A_240] : memref<16x128xi32, #tpu.memory_space<vmem>> -> memref<1x128xi32, #tpu.memory_space<vmem>>
    %dma_wait3A_242 = tpu.memref_squeeze %dma_wait3A_241 : memref<1x128xi32, #tpu.memory_space<vmem>> -> memref<128xi32, #tpu.memory_space<vmem>>
    %dma_wait3A_243 = arith.constant 0 : i32
    %dma_wait3A_244 = arith.constant 0 : i32
    %dma_wait3A_245 = tpu.memref_slice %arg5[%dma_wait3A_243, %dma_wait3A_244] : memref<1000000x128xf32, #tpu.memory_space<hbm>> -> memref<1000000x128xf32, #tpu.memory_space<hbm>>
    tpu.wait_indirect_dma semaphore(%arg12 : memref<!tpu.dma_semaphore, #tpu.memory_space<semaphore_mem>>) src(%dma_wait3A_245 : memref<1000000x128xf32, #tpu.memory_space<hbm>>) dst(%arg10 : memref<128x128xf32, #tpu.memory_space<vmem>>)
    %add3A_246 = arith.constant 256 : i32
    %add3A_247 = arith.addi %multiple_of3A, %add3A_246 : i32
    "tpu.region"() ({
      %run_scoped3A = tpu.sem_alloc : memref<!tpu.dma_semaphore, #tpu.memory_space<semaphore_mem>>
      %dma_start3A_385 = arith.constant 0 : i32
      %dma_start3A_386 = tpu.memref_slice %arg7[%add3A_247, %dma_start3A_385] : memref<49152x128xf32, #tpu.memory_space<hbm>> -> memref<128x128xf32, #tpu.memory_space<hbm>>
      %dma_start3A_387 = arith.constant 0 : i32
      %dma_start3A_388 = tpu.memref_slice %arg7[%add3A_247, %dma_start3A_387] : memref<49152x128xf32, #tpu.memory_space<hbm>> -> memref<128x128xf32, #tpu.memory_space<hbm>>
      tpu.enqueue_dma source(%arg10 : memref<128x128xf32, #tpu.memory_space<vmem>>) target(%dma_start3A_388 : memref<128x128xf32, #tpu.memory_space<hbm>>) target_semaphore(%run_scoped3A : memref<!tpu.dma_semaphore, #tpu.memory_space<semaphore_mem>>)
      %dma_wait3A_389 = arith.constant 0 : i32
      %dma_wait3A_390 = tpu.memref_slice %arg7[%add3A_247, %dma_wait3A_389] : memref<49152x128xf32, #tpu.memory_space<hbm>> -> memref<128x128xf32, #tpu.memory_space<hbm>>
      %dma_wait3A_391 = arith.constant 0 : i32
      %dma_wait3A_392 = tpu.memref_slice %arg7[%add3A_247, %dma_wait3A_391] : memref<49152x128xf32, #tpu.memory_space<hbm>> -> memref<128x128xf32, #tpu.memory_space<hbm>>
      tpu.wait_dma2 semaphore(%run_scoped3A : memref<!tpu.dma_semaphore, #tpu.memory_space<semaphore_mem>>) src(%arg10 : memref<128x128xf32, #tpu.memory_space<vmem>>) dst(%dma_wait3A_392 : memref<128x128xf32, #tpu.memory_space<hbm>>)
      tpu.yield
    }) : () -> ()
    %dma_start3A_248 = arith.constant 4 : i32
    %dma_start3A_249 = arith.constant 0 : i32
    %dma_start3A_250 = tpu.memref_slice %arg9[%dma_start3A_248, %dma_start3A_249] : memref<16x128xi32, #tpu.memory_space<vmem>> -> memref<1x128xi32, #tpu.memory_space<vmem>>
    %dma_start3A_251 = tpu.memref_squeeze %dma_start3A_250 : memref<1x128xi32, #tpu.memory_space<vmem>> -> memref<128xi32, #tpu.memory_space<vmem>>
    %dma_start3A_252 = arith.constant 0 : i32
    %dma_start3A_253 = arith.constant 0 : i32
    %dma_start3A_254 = tpu.memref_slice %arg5[%dma_start3A_252, %dma_start3A_253] : memref<1000000x128xf32, #tpu.memory_space<hbm>> -> memref<1000000x128xf32, #tpu.memory_space<hbm>>
    tpu.enqueue_indirect_dma source(%dma_start3A_254 : memref<1000000x128xf32, #tpu.memory_space<hbm>>) target(%arg10 : memref<128x128xf32, #tpu.memory_space<vmem>>) offsets(%dma_start3A_251 : memref<128xi32, #tpu.memory_space<vmem>>) semaphore(%arg12 : memref<!tpu.dma_semaphore, #tpu.memory_space<semaphore_mem>>)
    %dma_wait3A_255 = arith.constant 3 : i32
    %dma_wait3A_256 = arith.constant 0 : i32
    %dma_wait3A_257 = tpu.memref_slice %arg9[%dma_wait3A_255, %dma_wait3A_256] : memref<16x128xi32, #tpu.memory_space<vmem>> -> memref<1x128xi32, #tpu.memory_space<vmem>>
    %dma_wait3A_258 = tpu.memref_squeeze %dma_wait3A_257 : memref<1x128xi32, #tpu.memory_space<vmem>> -> memref<128xi32, #tpu.memory_space<vmem>>
    %dma_wait3A_259 = arith.constant 0 : i32
    %dma_wait3A_260 = arith.constant 0 : i32
    %dma_wait3A_261 = tpu.memref_slice %arg5[%dma_wait3A_259, %dma_wait3A_260] : memref<1000000x128xf32, #tpu.memory_space<hbm>> -> memref<1000000x128xf32, #tpu.memory_space<hbm>>
    tpu.wait_indirect_dma semaphore(%arg13 : memref<!tpu.dma_semaphore, #tpu.memory_space<semaphore_mem>>) src(%dma_wait3A_261 : memref<1000000x128xf32, #tpu.memory_space<hbm>>) dst(%arg11 : memref<128x128xf32, #tpu.memory_space<vmem>>)
    %add3A_262 = arith.constant 384 : i32
    %add3A_263 = arith.addi %multiple_of3A, %add3A_262 : i32
    "tpu.region"() ({
      %run_scoped3A = tpu.sem_alloc : memref<!tpu.dma_semaphore, #tpu.memory_space<semaphore_mem>>
      %dma_start3A_385 = arith.constant 0 : i32
      %dma_start3A_386 = tpu.memref_slice %arg7[%add3A_263, %dma_start3A_385] : memref<49152x128xf32, #tpu.memory_space<hbm>> -> memref<128x128xf32, #tpu.memory_space<hbm>>
      %dma_start3A_387 = arith.constant 0 : i32
      %dma_start3A_388 = tpu.memref_slice %arg7[%add3A_263, %dma_start3A_387] : memref<49152x128xf32, #tpu.memory_space<hbm>> -> memref<128x128xf32, #tpu.memory_space<hbm>>
      tpu.enqueue_dma source(%arg11 : memref<128x128xf32, #tpu.memory_space<vmem>>) target(%dma_start3A_388 : memref<128x128xf32, #tpu.memory_space<hbm>>) target_semaphore(%run_scoped3A : memref<!tpu.dma_semaphore, #tpu.memory_space<semaphore_mem>>)
      %dma_wait3A_389 = arith.constant 0 : i32
      %dma_wait3A_390 = tpu.memref_slice %arg7[%add3A_263, %dma_wait3A_389] : memref<49152x128xf32, #tpu.memory_space<hbm>> -> memref<128x128xf32, #tpu.memory_space<hbm>>
      %dma_wait3A_391 = arith.constant 0 : i32
      %dma_wait3A_392 = tpu.memref_slice %arg7[%add3A_263, %dma_wait3A_391] : memref<49152x128xf32, #tpu.memory_space<hbm>> -> memref<128x128xf32, #tpu.memory_space<hbm>>
      tpu.wait_dma2 semaphore(%run_scoped3A : memref<!tpu.dma_semaphore, #tpu.memory_space<semaphore_mem>>) src(%arg11 : memref<128x128xf32, #tpu.memory_space<vmem>>) dst(%dma_wait3A_392 : memref<128x128xf32, #tpu.memory_space<hbm>>)
      tpu.yield
    }) : () -> ()
    %dma_start3A_264 = arith.constant 5 : i32
    %dma_start3A_265 = arith.constant 0 : i32
    %dma_start3A_266 = tpu.memref_slice %arg9[%dma_start3A_264, %dma_start3A_265] : memref<16x128xi32, #tpu.memory_space<vmem>> -> memref<1x128xi32, #tpu.memory_space<vmem>>
    %dma_start3A_267 = tpu.memref_squeeze %dma_start3A_266 : memref<1x128xi32, #tpu.memory_space<vmem>> -> memref<128xi32, #tpu.memory_space<vmem>>
    %dma_start3A_268 = arith.constant 0 : i32
    %dma_start3A_269 = arith.constant 0 : i32
    %dma_start3A_270 = tpu.memref_slice %arg5[%dma_start3A_268, %dma_start3A_269] : memref<1000000x128xf32, #tpu.memory_space<hbm>> -> memref<1000000x128xf32, #tpu.memory_space<hbm>>
    tpu.enqueue_indirect_dma source(%dma_start3A_270 : memref<1000000x128xf32, #tpu.memory_space<hbm>>) target(%arg11 : memref<128x128xf32, #tpu.memory_space<vmem>>) offsets(%dma_start3A_267 : memref<128xi32, #tpu.memory_space<vmem>>) semaphore(%arg13 : memref<!tpu.dma_semaphore, #tpu.memory_space<semaphore_mem>>)
    %dma_wait3A_271 = arith.constant 4 : i32
    %dma_wait3A_272 = arith.constant 0 : i32
    %dma_wait3A_273 = tpu.memref_slice %arg9[%dma_wait3A_271, %dma_wait3A_272] : memref<16x128xi32, #tpu.memory_space<vmem>> -> memref<1x128xi32, #tpu.memory_space<vmem>>
    %dma_wait3A_274 = tpu.memref_squeeze %dma_wait3A_273 : memref<1x128xi32, #tpu.memory_space<vmem>> -> memref<128xi32, #tpu.memory_space<vmem>>
    %dma_wait3A_275 = arith.constant 0 : i32
    %dma_wait3A_276 = arith.constant 0 : i32
    %dma_wait3A_277 = tpu.memref_slice %arg5[%dma_wait3A_275, %dma_wait3A_276] : memref<1000000x128xf32, #tpu.memory_space<hbm>> -> memref<1000000x128xf32, #tpu.memory_space<hbm>>
    tpu.wait_indirect_dma semaphore(%arg12 : memref<!tpu.dma_semaphore, #tpu.memory_space<semaphore_mem>>) src(%dma_wait3A_277 : memref<1000000x128xf32, #tpu.memory_space<hbm>>) dst(%arg10 : memref<128x128xf32, #tpu.memory_space<vmem>>)
    %add3A_278 = arith.constant 512 : i32
    %add3A_279 = arith.addi %multiple_of3A, %add3A_278 : i32
    "tpu.region"() ({
      %run_scoped3A = tpu.sem_alloc : memref<!tpu.dma_semaphore, #tpu.memory_space<semaphore_mem>>
      %dma_start3A_385 = arith.constant 0 : i32
      %dma_start3A_386 = tpu.memref_slice %arg7[%add3A_279, %dma_start3A_385] : memref<49152x128xf32, #tpu.memory_space<hbm>> -> memref<128x128xf32, #tpu.memory_space<hbm>>
      %dma_start3A_387 = arith.constant 0 : i32
      %dma_start3A_388 = tpu.memref_slice %arg7[%add3A_279, %dma_start3A_387] : memref<49152x128xf32, #tpu.memory_space<hbm>> -> memref<128x128xf32, #tpu.memory_space<hbm>>
      tpu.enqueue_dma source(%arg10 : memref<128x128xf32, #tpu.memory_space<vmem>>) target(%dma_start3A_388 : memref<128x128xf32, #tpu.memory_space<hbm>>) target_semaphore(%run_scoped3A : memref<!tpu.dma_semaphore, #tpu.memory_space<semaphore_mem>>)
      %dma_wait3A_389 = arith.constant 0 : i32
      %dma_wait3A_390 = tpu.memref_slice %arg7[%add3A_279, %dma_wait3A_389] : memref<49152x128xf32, #tpu.memory_space<hbm>> -> memref<128x128xf32, #tpu.memory_space<hbm>>
      %dma_wait3A_391 = arith.constant 0 : i32
      %dma_wait3A_392 = tpu.memref_slice %arg7[%add3A_279, %dma_wait3A_391] : memref<49152x128xf32, #tpu.memory_space<hbm>> -> memref<128x128xf32, #tpu.memory_space<hbm>>
      tpu.wait_dma2 semaphore(%run_scoped3A : memref<!tpu.dma_semaphore, #tpu.memory_space<semaphore_mem>>) src(%arg10 : memref<128x128xf32, #tpu.memory_space<vmem>>) dst(%dma_wait3A_392 : memref<128x128xf32, #tpu.memory_space<hbm>>)
      tpu.yield
    }) : () -> ()
    %dma_start3A_280 = arith.constant 6 : i32
    %dma_start3A_281 = arith.constant 0 : i32
    %dma_start3A_282 = tpu.memref_slice %arg9[%dma_start3A_280, %dma_start3A_281] : memref<16x128xi32, #tpu.memory_space<vmem>> -> memref<1x128xi32, #tpu.memory_space<vmem>>
    %dma_start3A_283 = tpu.memref_squeeze %dma_start3A_282 : memref<1x128xi32, #tpu.memory_space<vmem>> -> memref<128xi32, #tpu.memory_space<vmem>>
    %dma_start3A_284 = arith.constant 0 : i32
    %dma_start3A_285 = arith.constant 0 : i32
    %dma_start3A_286 = tpu.memref_slice %arg5[%dma_start3A_284, %dma_start3A_285] : memref<1000000x128xf32, #tpu.memory_space<hbm>> -> memref<1000000x128xf32, #tpu.memory_space<hbm>>
    tpu.enqueue_indirect_dma source(%dma_start3A_286 : memref<1000000x128xf32, #tpu.memory_space<hbm>>) target(%arg10 : memref<128x128xf32, #tpu.memory_space<vmem>>) offsets(%dma_start3A_283 : memref<128xi32, #tpu.memory_space<vmem>>) semaphore(%arg12 : memref<!tpu.dma_semaphore, #tpu.memory_space<semaphore_mem>>)
    %dma_wait3A_287 = arith.constant 5 : i32
    %dma_wait3A_288 = arith.constant 0 : i32
    %dma_wait3A_289 = tpu.memref_slice %arg9[%dma_wait3A_287, %dma_wait3A_288] : memref<16x128xi32, #tpu.memory_space<vmem>> -> memref<1x128xi32, #tpu.memory_space<vmem>>
    %dma_wait3A_290 = tpu.memref_squeeze %dma_wait3A_289 : memref<1x128xi32, #tpu.memory_space<vmem>> -> memref<128xi32, #tpu.memory_space<vmem>>
    %dma_wait3A_291 = arith.constant 0 : i32
    %dma_wait3A_292 = arith.constant 0 : i32
    %dma_wait3A_293 = tpu.memref_slice %arg5[%dma_wait3A_291, %dma_wait3A_292] : memref<1000000x128xf32, #tpu.memory_space<hbm>> -> memref<1000000x128xf32, #tpu.memory_space<hbm>>
    tpu.wait_indirect_dma semaphore(%arg13 : memref<!tpu.dma_semaphore, #tpu.memory_space<semaphore_mem>>) src(%dma_wait3A_293 : memref<1000000x128xf32, #tpu.memory_space<hbm>>) dst(%arg11 : memref<128x128xf32, #tpu.memory_space<vmem>>)
    %add3A_294 = arith.constant 640 : i32
    %add3A_295 = arith.addi %multiple_of3A, %add3A_294 : i32
    "tpu.region"() ({
      %run_scoped3A = tpu.sem_alloc : memref<!tpu.dma_semaphore, #tpu.memory_space<semaphore_mem>>
      %dma_start3A_385 = arith.constant 0 : i32
      %dma_start3A_386 = tpu.memref_slice %arg7[%add3A_295, %dma_start3A_385] : memref<49152x128xf32, #tpu.memory_space<hbm>> -> memref<128x128xf32, #tpu.memory_space<hbm>>
      %dma_start3A_387 = arith.constant 0 : i32
      %dma_start3A_388 = tpu.memref_slice %arg7[%add3A_295, %dma_start3A_387] : memref<49152x128xf32, #tpu.memory_space<hbm>> -> memref<128x128xf32, #tpu.memory_space<hbm>>
      tpu.enqueue_dma source(%arg11 : memref<128x128xf32, #tpu.memory_space<vmem>>) target(%dma_start3A_388 : memref<128x128xf32, #tpu.memory_space<hbm>>) target_semaphore(%run_scoped3A : memref<!tpu.dma_semaphore, #tpu.memory_space<semaphore_mem>>)
      %dma_wait3A_389 = arith.constant 0 : i32
      %dma_wait3A_390 = tpu.memref_slice %arg7[%add3A_295, %dma_wait3A_389] : memref<49152x128xf32, #tpu.memory_space<hbm>> -> memref<128x128xf32, #tpu.memory_space<hbm>>
      %dma_wait3A_391 = arith.constant 0 : i32
      %dma_wait3A_392 = tpu.memref_slice %arg7[%add3A_295, %dma_wait3A_391] : memref<49152x128xf32, #tpu.memory_space<hbm>> -> memref<128x128xf32, #tpu.memory_space<hbm>>
      tpu.wait_dma2 semaphore(%run_scoped3A : memref<!tpu.dma_semaphore, #tpu.memory_space<semaphore_mem>>) src(%arg11 : memref<128x128xf32, #tpu.memory_space<vmem>>) dst(%dma_wait3A_392 : memref<128x128xf32, #tpu.memory_space<hbm>>)
      tpu.yield
    }) : () -> ()
    %dma_start3A_296 = arith.constant 7 : i32
    %dma_start3A_297 = arith.constant 0 : i32
    %dma_start3A_298 = tpu.memref_slice %arg9[%dma_start3A_296, %dma_start3A_297] : memref<16x128xi32, #tpu.memory_space<vmem>> -> memref<1x128xi32, #tpu.memory_space<vmem>>
    %dma_start3A_299 = tpu.memref_squeeze %dma_start3A_298 : memref<1x128xi32, #tpu.memory_space<vmem>> -> memref<128xi32, #tpu.memory_space<vmem>>
    %dma_start3A_300 = arith.constant 0 : i32
    %dma_start3A_301 = arith.constant 0 : i32
    %dma_start3A_302 = tpu.memref_slice %arg5[%dma_start3A_300, %dma_start3A_301] : memref<1000000x128xf32, #tpu.memory_space<hbm>> -> memref<1000000x128xf32, #tpu.memory_space<hbm>>
    tpu.enqueue_indirect_dma source(%dma_start3A_302 : memref<1000000x128xf32, #tpu.memory_space<hbm>>) target(%arg11 : memref<128x128xf32, #tpu.memory_space<vmem>>) offsets(%dma_start3A_299 : memref<128xi32, #tpu.memory_space<vmem>>) semaphore(%arg13 : memref<!tpu.dma_semaphore, #tpu.memory_space<semaphore_mem>>)
    %dma_wait3A_303 = arith.constant 6 : i32
    %dma_wait3A_304 = arith.constant 0 : i32
    %dma_wait3A_305 = tpu.memref_slice %arg9[%dma_wait3A_303, %dma_wait3A_304] : memref<16x128xi32, #tpu.memory_space<vmem>> -> memref<1x128xi32, #tpu.memory_space<vmem>>
    %dma_wait3A_306 = tpu.memref_squeeze %dma_wait3A_305 : memref<1x128xi32, #tpu.memory_space<vmem>> -> memref<128xi32, #tpu.memory_space<vmem>>
    %dma_wait3A_307 = arith.constant 0 : i32
    %dma_wait3A_308 = arith.constant 0 : i32
    %dma_wait3A_309 = tpu.memref_slice %arg5[%dma_wait3A_307, %dma_wait3A_308] : memref<1000000x128xf32, #tpu.memory_space<hbm>> -> memref<1000000x128xf32, #tpu.memory_space<hbm>>
    tpu.wait_indirect_dma semaphore(%arg12 : memref<!tpu.dma_semaphore, #tpu.memory_space<semaphore_mem>>) src(%dma_wait3A_309 : memref<1000000x128xf32, #tpu.memory_space<hbm>>) dst(%arg10 : memref<128x128xf32, #tpu.memory_space<vmem>>)
    %add3A_310 = arith.constant 768 : i32
    %add3A_311 = arith.addi %multiple_of3A, %add3A_310 : i32
    "tpu.region"() ({
      %run_scoped3A = tpu.sem_alloc : memref<!tpu.dma_semaphore, #tpu.memory_space<semaphore_mem>>
      %dma_start3A_385 = arith.constant 0 : i32
      %dma_start3A_386 = tpu.memref_slice %arg7[%add3A_311, %dma_start3A_385] : memref<49152x128xf32, #tpu.memory_space<hbm>> -> memref<128x128xf32, #tpu.memory_space<hbm>>
      %dma_start3A_387 = arith.constant 0 : i32
      %dma_start3A_388 = tpu.memref_slice %arg7[%add3A_311, %dma_start3A_387] : memref<49152x128xf32, #tpu.memory_space<hbm>> -> memref<128x128xf32, #tpu.memory_space<hbm>>
      tpu.enqueue_dma source(%arg10 : memref<128x128xf32, #tpu.memory_space<vmem>>) target(%dma_start3A_388 : memref<128x128xf32, #tpu.memory_space<hbm>>) target_semaphore(%run_scoped3A : memref<!tpu.dma_semaphore, #tpu.memory_space<semaphore_mem>>)
      %dma_wait3A_389 = arith.constant 0 : i32
      %dma_wait3A_390 = tpu.memref_slice %arg7[%add3A_311, %dma_wait3A_389] : memref<49152x128xf32, #tpu.memory_space<hbm>> -> memref<128x128xf32, #tpu.memory_space<hbm>>
      %dma_wait3A_391 = arith.constant 0 : i32
      %dma_wait3A_392 = tpu.memref_slice %arg7[%add3A_311, %dma_wait3A_391] : memref<49152x128xf32, #tpu.memory_space<hbm>> -> memref<128x128xf32, #tpu.memory_space<hbm>>
      tpu.wait_dma2 semaphore(%run_scoped3A : memref<!tpu.dma_semaphore, #tpu.memory_space<semaphore_mem>>) src(%arg10 : memref<128x128xf32, #tpu.memory_space<vmem>>) dst(%dma_wait3A_392 : memref<128x128xf32, #tpu.memory_space<hbm>>)
      tpu.yield
    }) : () -> ()
    %dma_start3A_312 = arith.constant 8 : i32
    %dma_start3A_313 = arith.constant 0 : i32
    %dma_start3A_314 = tpu.memref_slice %arg9[%dma_start3A_312, %dma_start3A_313] : memref<16x128xi32, #tpu.memory_space<vmem>> -> memref<1x128xi32, #tpu.memory_space<vmem>>
    %dma_start3A_315 = tpu.memref_squeeze %dma_start3A_314 : memref<1x128xi32, #tpu.memory_space<vmem>> -> memref<128xi32, #tpu.memory_space<vmem>>
    %dma_start3A_316 = arith.constant 0 : i32
    %dma_start3A_317 = arith.constant 0 : i32
    %dma_start3A_318 = tpu.memref_slice %arg5[%dma_start3A_316, %dma_start3A_317] : memref<1000000x128xf32, #tpu.memory_space<hbm>> -> memref<1000000x128xf32, #tpu.memory_space<hbm>>
    tpu.enqueue_indirect_dma source(%dma_start3A_318 : memref<1000000x128xf32, #tpu.memory_space<hbm>>) target(%arg10 : memref<128x128xf32, #tpu.memory_space<vmem>>) offsets(%dma_start3A_315 : memref<128xi32, #tpu.memory_space<vmem>>) semaphore(%arg12 : memref<!tpu.dma_semaphore, #tpu.memory_space<semaphore_mem>>)
    %dma_wait3A_319 = arith.constant 7 : i32
    %dma_wait3A_320 = arith.constant 0 : i32
    %dma_wait3A_321 = tpu.memref_slice %arg9[%dma_wait3A_319, %dma_wait3A_320] : memref<16x128xi32, #tpu.memory_space<vmem>> -> memref<1x128xi32, #tpu.memory_space<vmem>>
    %dma_wait3A_322 = tpu.memref_squeeze %dma_wait3A_321 : memref<1x128xi32, #tpu.memory_space<vmem>> -> memref<128xi32, #tpu.memory_space<vmem>>
    %dma_wait3A_323 = arith.constant 0 : i32
    %dma_wait3A_324 = arith.constant 0 : i32
    %dma_wait3A_325 = tpu.memref_slice %arg5[%dma_wait3A_323, %dma_wait3A_324] : memref<1000000x128xf32, #tpu.memory_space<hbm>> -> memref<1000000x128xf32, #tpu.memory_space<hbm>>
    tpu.wait_indirect_dma semaphore(%arg13 : memref<!tpu.dma_semaphore, #tpu.memory_space<semaphore_mem>>) src(%dma_wait3A_325 : memref<1000000x128xf32, #tpu.memory_space<hbm>>) dst(%arg11 : memref<128x128xf32, #tpu.memory_space<vmem>>)
    %add3A_326 = arith.constant 896 : i32
    %add3A_327 = arith.addi %multiple_of3A, %add3A_326 : i32
    "tpu.region"() ({
      %run_scoped3A = tpu.sem_alloc : memref<!tpu.dma_semaphore, #tpu.memory_space<semaphore_mem>>
      %dma_start3A_385 = arith.constant 0 : i32
      %dma_start3A_386 = tpu.memref_slice %arg7[%add3A_327, %dma_start3A_385] : memref<49152x128xf32, #tpu.memory_space<hbm>> -> memref<128x128xf32, #tpu.memory_space<hbm>>
      %dma_start3A_387 = arith.constant 0 : i32
      %dma_start3A_388 = tpu.memref_slice %arg7[%add3A_327, %dma_start3A_387] : memref<49152x128xf32, #tpu.memory_space<hbm>> -> memref<128x128xf32, #tpu.memory_space<hbm>>
      tpu.enqueue_dma source(%arg11 : memref<128x128xf32, #tpu.memory_space<vmem>>) target(%dma_start3A_388 : memref<128x128xf32, #tpu.memory_space<hbm>>) target_semaphore(%run_scoped3A : memref<!tpu.dma_semaphore, #tpu.memory_space<semaphore_mem>>)
      %dma_wait3A_389 = arith.constant 0 : i32
      %dma_wait3A_390 = tpu.memref_slice %arg7[%add3A_327, %dma_wait3A_389] : memref<49152x128xf32, #tpu.memory_space<hbm>> -> memref<128x128xf32, #tpu.memory_space<hbm>>
      %dma_wait3A_391 = arith.constant 0 : i32
      %dma_wait3A_392 = tpu.memref_slice %arg7[%add3A_327, %dma_wait3A_391] : memref<49152x128xf32, #tpu.memory_space<hbm>> -> memref<128x128xf32, #tpu.memory_space<hbm>>
      tpu.wait_dma2 semaphore(%run_scoped3A : memref<!tpu.dma_semaphore, #tpu.memory_space<semaphore_mem>>) src(%arg11 : memref<128x128xf32, #tpu.memory_space<vmem>>) dst(%dma_wait3A_392 : memref<128x128xf32, #tpu.memory_space<hbm>>)
      tpu.yield
    }) : () -> ()
    %dma_start3A_328 = arith.constant 9 : i32
    %dma_start3A_329 = arith.constant 0 : i32
    %dma_start3A_330 = tpu.memref_slice %arg9[%dma_start3A_328, %dma_start3A_329] : memref<16x128xi32, #tpu.memory_space<vmem>> -> memref<1x128xi32, #tpu.memory_space<vmem>>
    %dma_start3A_331 = tpu.memref_squeeze %dma_start3A_330 : memref<1x128xi32, #tpu.memory_space<vmem>> -> memref<128xi32, #tpu.memory_space<vmem>>
    %dma_start3A_332 = arith.constant 0 : i32
    %dma_start3A_333 = arith.constant 0 : i32
    %dma_start3A_334 = tpu.memref_slice %arg5[%dma_start3A_332, %dma_start3A_333] : memref<1000000x128xf32, #tpu.memory_space<hbm>> -> memref<1000000x128xf32, #tpu.memory_space<hbm>>
    tpu.enqueue_indirect_dma source(%dma_start3A_334 : memref<1000000x128xf32, #tpu.memory_space<hbm>>) target(%arg11 : memref<128x128xf32, #tpu.memory_space<vmem>>) offsets(%dma_start3A_331 : memref<128xi32, #tpu.memory_space<vmem>>) semaphore(%arg13 : memref<!tpu.dma_semaphore, #tpu.memory_space<semaphore_mem>>)
    %dma_wait3A_335 = arith.constant 8 : i32
    %dma_wait3A_336 = arith.constant 0 : i32
    %dma_wait3A_337 = tpu.memref_slice %arg9[%dma_wait3A_335, %dma_wait3A_336] : memref<16x128xi32, #tpu.memory_space<vmem>> -> memref<1x128xi32, #tpu.memory_space<vmem>>
    %dma_wait3A_338 = tpu.memref_squeeze %dma_wait3A_337 : memref<1x128xi32, #tpu.memory_space<vmem>> -> memref<128xi32, #tpu.memory_space<vmem>>
    %dma_wait3A_339 = arith.constant 0 : i32
    %dma_wait3A_340 = arith.constant 0 : i32
    %dma_wait3A_341 = tpu.memref_slice %arg5[%dma_wait3A_339, %dma_wait3A_340] : memref<1000000x128xf32, #tpu.memory_space<hbm>> -> memref<1000000x128xf32, #tpu.memory_space<hbm>>
    tpu.wait_indirect_dma semaphore(%arg12 : memref<!tpu.dma_semaphore, #tpu.memory_space<semaphore_mem>>) src(%dma_wait3A_341 : memref<1000000x128xf32, #tpu.memory_space<hbm>>) dst(%arg10 : memref<128x128xf32, #tpu.memory_space<vmem>>)
    %add3A_342 = arith.constant 1024 : i32
    %add3A_343 = arith.addi %multiple_of3A, %add3A_342 : i32
    "tpu.region"() ({
      %run_scoped3A = tpu.sem_alloc : memref<!tpu.dma_semaphore, #tpu.memory_space<semaphore_mem>>
      %dma_start3A_385 = arith.constant 0 : i32
      %dma_start3A_386 = tpu.memref_slice %arg7[%add3A_343, %dma_start3A_385] : memref<49152x128xf32, #tpu.memory_space<hbm>> -> memref<128x128xf32, #tpu.memory_space<hbm>>
      %dma_start3A_387 = arith.constant 0 : i32
      %dma_start3A_388 = tpu.memref_slice %arg7[%add3A_343, %dma_start3A_387] : memref<49152x128xf32, #tpu.memory_space<hbm>> -> memref<128x128xf32, #tpu.memory_space<hbm>>
      tpu.enqueue_dma source(%arg10 : memref<128x128xf32, #tpu.memory_space<vmem>>) target(%dma_start3A_388 : memref<128x128xf32, #tpu.memory_space<hbm>>) target_semaphore(%run_scoped3A : memref<!tpu.dma_semaphore, #tpu.memory_space<semaphore_mem>>)
      %dma_wait3A_389 = arith.constant 0 : i32
      %dma_wait3A_390 = tpu.memref_slice %arg7[%add3A_343, %dma_wait3A_389] : memref<49152x128xf32, #tpu.memory_space<hbm>> -> memref<128x128xf32, #tpu.memory_space<hbm>>
      %dma_wait3A_391 = arith.constant 0 : i32
      %dma_wait3A_392 = tpu.memref_slice %arg7[%add3A_343, %dma_wait3A_391] : memref<49152x128xf32, #tpu.memory_space<hbm>> -> memref<128x128xf32, #tpu.memory_space<hbm>>
      tpu.wait_dma2 semaphore(%run_scoped3A : memref<!tpu.dma_semaphore, #tpu.memory_space<semaphore_mem>>) src(%arg10 : memref<128x128xf32, #tpu.memory_space<vmem>>) dst(%dma_wait3A_392 : memref<128x128xf32, #tpu.memory_space<hbm>>)
      tpu.yield
    }) : () -> ()
    %dma_start3A_344 = arith.constant 10 : i32
    %dma_start3A_345 = arith.constant 0 : i32
    %dma_start3A_346 = tpu.memref_slice %arg9[%dma_start3A_344, %dma_start3A_345] : memref<16x128xi32, #tpu.memory_space<vmem>> -> memref<1x128xi32, #tpu.memory_space<vmem>>
    %dma_start3A_347 = tpu.memref_squeeze %dma_start3A_346 : memref<1x128xi32, #tpu.memory_space<vmem>> -> memref<128xi32, #tpu.memory_space<vmem>>
    %dma_start3A_348 = arith.constant 0 : i32
    %dma_start3A_349 = arith.constant 0 : i32
    %dma_start3A_350 = tpu.memref_slice %arg5[%dma_start3A_348, %dma_start3A_349] : memref<1000000x128xf32, #tpu.memory_space<hbm>> -> memref<1000000x128xf32, #tpu.memory_space<hbm>>
    tpu.enqueue_indirect_dma source(%dma_start3A_350 : memref<1000000x128xf32, #tpu.memory_space<hbm>>) target(%arg10 : memref<128x128xf32, #tpu.memory_space<vmem>>) offsets(%dma_start3A_347 : memref<128xi32, #tpu.memory_space<vmem>>) semaphore(%arg12 : memref<!tpu.dma_semaphore, #tpu.memory_space<semaphore_mem>>)
    %dma_wait3A_351 = arith.constant 9 : i32
    %dma_wait3A_352 = arith.constant 0 : i32
    %dma_wait3A_353 = tpu.memref_slice %arg9[%dma_wait3A_351, %dma_wait3A_352] : memref<16x128xi32, #tpu.memory_space<vmem>> -> memref<1x128xi32, #tpu.memory_space<vmem>>
    %dma_wait3A_354 = tpu.memref_squeeze %dma_wait3A_353 : memref<1x128xi32, #tpu.memory_space<vmem>> -> memref<128xi32, #tpu.memory_space<vmem>>
    %dma_wait3A_355 = arith.constant 0 : i32
    %dma_wait3A_356 = arith.constant 0 : i32
    %dma_wait3A_357 = tpu.memref_slice %arg5[%dma_wait3A_355, %dma_wait3A_356] : memref<1000000x128xf32, #tpu.memory_space<hbm>> -> memref<1000000x128xf32, #tpu.memory_space<hbm>>
    tpu.wait_indirect_dma semaphore(%arg13 : memref<!tpu.dma_semaphore, #tpu.memory_space<semaphore_mem>>) src(%dma_wait3A_357 : memref<1000000x128xf32, #tpu.memory_space<hbm>>) dst(%arg11 : memref<128x128xf32, #tpu.memory_space<vmem>>)
    %add3A_358 = arith.constant 1152 : i32
    %add3A_359 = arith.addi %multiple_of3A, %add3A_358 : i32
    "tpu.region"() ({
      %run_scoped3A = tpu.sem_alloc : memref<!tpu.dma_semaphore, #tpu.memory_space<semaphore_mem>>
      %dma_start3A_385 = arith.constant 0 : i32
      %dma_start3A_386 = tpu.memref_slice %arg7[%add3A_359, %dma_start3A_385] : memref<49152x128xf32, #tpu.memory_space<hbm>> -> memref<128x128xf32, #tpu.memory_space<hbm>>
      %dma_start3A_387 = arith.constant 0 : i32
      %dma_start3A_388 = tpu.memref_slice %arg7[%add3A_359, %dma_start3A_387] : memref<49152x128xf32, #tpu.memory_space<hbm>> -> memref<128x128xf32, #tpu.memory_space<hbm>>
      tpu.enqueue_dma source(%arg11 : memref<128x128xf32, #tpu.memory_space<vmem>>) target(%dma_start3A_388 : memref<128x128xf32, #tpu.memory_space<hbm>>) target_semaphore(%run_scoped3A : memref<!tpu.dma_semaphore, #tpu.memory_space<semaphore_mem>>)
      %dma_wait3A_389 = arith.constant 0 : i32
      %dma_wait3A_390 = tpu.memref_slice %arg7[%add3A_359, %dma_wait3A_389] : memref<49152x128xf32, #tpu.memory_space<hbm>> -> memref<128x128xf32, #tpu.memory_space<hbm>>
      %dma_wait3A_391 = arith.constant 0 : i32
      %dma_wait3A_392 = tpu.memref_slice %arg7[%add3A_359, %dma_wait3A_391] : memref<49152x128xf32, #tpu.memory_space<hbm>> -> memref<128x128xf32, #tpu.memory_space<hbm>>
      tpu.wait_dma2 semaphore(%run_scoped3A : memref<!tpu.dma_semaphore, #tpu.memory_space<semaphore_mem>>) src(%arg11 : memref<128x128xf32, #tpu.memory_space<vmem>>) dst(%dma_wait3A_392 : memref<128x128xf32, #tpu.memory_space<hbm>>)
      tpu.yield
    }) : () -> ()
    %dma_start3A_360 = arith.constant 11 : i32
    %dma_start3A_361 = arith.constant 0 : i32
    %dma_start3A_362 = tpu.memref_slice %arg9[%dma_start3A_360, %dma_start3A_361] : memref<16x128xi32, #tpu.memory_space<vmem>> -> memref<1x128xi32, #tpu.memory_space<vmem>>
    %dma_start3A_363 = tpu.memref_squeeze %dma_start3A_362 : memref<1x128xi32, #tpu.memory_space<vmem>> -> memref<128xi32, #tpu.memory_space<vmem>>
    %dma_start3A_364 = arith.constant 0 : i32
    %dma_start3A_365 = arith.constant 0 : i32
    %dma_start3A_366 = tpu.memref_slice %arg5[%dma_start3A_364, %dma_start3A_365] : memref<1000000x128xf32, #tpu.memory_space<hbm>> -> memref<1000000x128xf32, #tpu.memory_space<hbm>>
    tpu.enqueue_indirect_dma source(%dma_start3A_366 : memref<1000000x128xf32, #tpu.memory_space<hbm>>) target(%arg11 : memref<128x128xf32, #tpu.memory_space<vmem>>) offsets(%dma_start3A_363 : memref<128xi32, #tpu.memory_space<vmem>>) semaphore(%arg13 : memref<!tpu.dma_semaphore, #tpu.memory_space<semaphore_mem>>)
    %dma_wait3A_367 = arith.constant 10 : i32
    %dma_wait3A_368 = arith.constant 0 : i32
    %dma_wait3A_369 = tpu.memref_slice %arg9[%dma_wait3A_367, %dma_wait3A_368] : memref<16x128xi32, #tpu.memory_space<vmem>> -> memref<1x128xi32, #tpu.memory_space<vmem>>
    %dma_wait3A_370 = tpu.memref_squeeze %dma_wait3A_369 : memref<1x128xi32, #tpu.memory_space<vmem>> -> memref<128xi32, #tpu.memory_space<vmem>>
    %dma_wait3A_371 = arith.constant 0 : i32
    %dma_wait3A_372 = arith.constant 0 : i32
    %dma_wait3A_373 = tpu.memref_slice %arg5[%dma_wait3A_371, %dma_wait3A_372] : memref<1000000x128xf32, #tpu.memory_space<hbm>> -> memref<1000000x128xf32, #tpu.memory_space<hbm>>
    tpu.wait_indirect_dma semaphore(%arg12 : memref<!tpu.dma_semaphore, #tpu.memory_space<semaphore_mem>>) src(%dma_wait3A_373 : memref<1000000x128xf32, #tpu.memory_space<hbm>>) dst(%arg10 : memref<128x128xf32, #tpu.memory_space<vmem>>)
    %add3A_374 = arith.constant 1280 : i32
    %add3A_375 = arith.addi %multiple_of3A, %add3A_374 : i32
    "tpu.region"() ({
      %run_scoped3A = tpu.sem_alloc : memref<!tpu.dma_semaphore, #tpu.memory_space<semaphore_mem>>
      %dma_start3A_385 = arith.constant 0 : i32
      %dma_start3A_386 = tpu.memref_slice %arg7[%add3A_375, %dma_start3A_385] : memref<49152x128xf32, #tpu.memory_space<hbm>> -> memref<128x128xf32, #tpu.memory_space<hbm>>
      %dma_start3A_387 = arith.constant 0 : i32
      %dma_start3A_388 = tpu.memref_slice %arg7[%add3A_375, %dma_start3A_387] : memref<49152x128xf32, #tpu.memory_space<hbm>> -> memref<128x128xf32, #tpu.memory_space<hbm>>
      tpu.enqueue_dma source(%arg10 : memref<128x128xf32, #tpu.memory_space<vmem>>) target(%dma_start3A_388 : memref<128x128xf32, #tpu.memory_space<hbm>>) target_semaphore(%run_scoped3A : memref<!tpu.dma_semaphore, #tpu.memory_space<semaphore_mem>>)
      %dma_wait3A_389 = arith.constant 0 : i32
      %dma_wait3A_390 = tpu.memref_slice %arg7[%add3A_375, %dma_wait3A_389] : memref<49152x128xf32, #tpu.memory_space<hbm>> -> memref<128x128xf32, #tpu.memory_space<hbm>>
      %dma_wait3A_391 = arith.constant 0 : i32
      %dma_wait3A_392 = tpu.memref_slice %arg7[%add3A_375, %dma_wait3A_391] : memref<49152x128xf32, #tpu.memory_space<hbm>> -> memref<128x128xf32, #tpu.memory_space<hbm>>
      tpu.wait_dma2 semaphore(%run_scoped3A : memref<!tpu.dma_semaphore, #tpu.memory_space<semaphore_mem>>) src(%arg10 : memref<128x128xf32, #tpu.memory_space<vmem>>) dst(%dma_wait3A_392 : memref<128x128xf32, #tpu.memory_space<hbm>>)
      tpu.yield
    }) : () -> ()
    %dma_wait3A_376 = arith.constant 11 : i32
    %dma_wait3A_377 = arith.constant 0 : i32
    %dma_wait3A_378 = tpu.memref_slice %arg9[%dma_wait3A_376, %dma_wait3A_377] : memref<16x128xi32, #tpu.memory_space<vmem>> -> memref<1x128xi32, #tpu.memory_space<vmem>>
    %dma_wait3A_379 = tpu.memref_squeeze %dma_wait3A_378 : memref<1x128xi32, #tpu.memory_space<vmem>> -> memref<128xi32, #tpu.memory_space<vmem>>
    %dma_wait3A_380 = arith.constant 0 : i32
    %dma_wait3A_381 = arith.constant 0 : i32
    %dma_wait3A_382 = tpu.memref_slice %arg5[%dma_wait3A_380, %dma_wait3A_381] : memref<1000000x128xf32, #tpu.memory_space<hbm>> -> memref<1000000x128xf32, #tpu.memory_space<hbm>>
    tpu.wait_indirect_dma semaphore(%arg13 : memref<!tpu.dma_semaphore, #tpu.memory_space<semaphore_mem>>) src(%dma_wait3A_382 : memref<1000000x128xf32, #tpu.memory_space<hbm>>) dst(%arg11 : memref<128x128xf32, #tpu.memory_space<vmem>>)
    %add3A_383 = arith.constant 1408 : i32
    %add3A_384 = arith.addi %multiple_of3A, %add3A_383 : i32
    "tpu.region"() ({
      %run_scoped3A = tpu.sem_alloc : memref<!tpu.dma_semaphore, #tpu.memory_space<semaphore_mem>>
      %dma_start3A_385 = arith.constant 0 : i32
      %dma_start3A_386 = tpu.memref_slice %arg7[%add3A_384, %dma_start3A_385] : memref<49152x128xf32, #tpu.memory_space<hbm>> -> memref<128x128xf32, #tpu.memory_space<hbm>>
      %dma_start3A_387 = arith.constant 0 : i32
      %dma_start3A_388 = tpu.memref_slice %arg7[%add3A_384, %dma_start3A_387] : memref<49152x128xf32, #tpu.memory_space<hbm>> -> memref<128x128xf32, #tpu.memory_space<hbm>>
      tpu.enqueue_dma source(%arg11 : memref<128x128xf32, #tpu.memory_space<vmem>>) target(%dma_start3A_388 : memref<128x128xf32, #tpu.memory_space<hbm>>) target_semaphore(%run_scoped3A : memref<!tpu.dma_semaphore, #tpu.memory_space<semaphore_mem>>)
      %dma_wait3A_389 = arith.constant 0 : i32
      %dma_wait3A_390 = tpu.memref_slice %arg7[%add3A_384, %dma_wait3A_389] : memref<49152x128xf32, #tpu.memory_space<hbm>> -> memref<128x128xf32, #tpu.memory_space<hbm>>
      %dma_wait3A_391 = arith.constant 0 : i32
      %dma_wait3A_392 = tpu.memref_slice %arg7[%add3A_384, %dma_wait3A_391] : memref<49152x128xf32, #tpu.memory_space<hbm>> -> memref<128x128xf32, #tpu.memory_space<hbm>>
      tpu.wait_dma2 semaphore(%run_scoped3A : memref<!tpu.dma_semaphore, #tpu.memory_space<semaphore_mem>>) src(%arg11 : memref<128x128xf32, #tpu.memory_space<vmem>>) dst(%dma_wait3A_392 : memref<128x128xf32, #tpu.memory_space<hbm>>)
      tpu.yield
    }) : () -> ()
    return
  }
}

module attributes {stable_mosaic.version = 14 : i64} {
  func.func @_pad_t_body(%arg0: i32, %arg1: memref<64x8192xf32, #tpu.memory_space<vmem>>, %arg2: memref<8192x128xf32, #tpu.memory_space<vmem>>) attributes {dimension_semantics = [#tpu.dimension_semantics<arbitrary>], iteration_bounds = array<i64: 123>, scalar_prefetch = 0 : i64, scratch_operands = 0 : i64, tpu.core_type = #tpu.core_type<tc>, window_params = [{transform_indices = @transform_0, window_bounds = array<i64: 64, 8192>}, {transform_indices = @transform_1, window_bounds = array<i64: 8192, 128>}]} {
    %get3A = arith.constant 0 : index
    %get3A_0 = arith.constant 0 : index
    %get3A_1 = vector.load %arg1[%get3A, %get3A_0] : memref<64x8192xf32, #tpu.memory_space<vmem>>, vector<64x8192xf32>
    %transpose3A = tpu.transpose %get3A_1, [1, 0] : vector<64x8192xf32> -> vector<8192x64xf32>
    %swap3A = arith.constant 0 : index
    %swap3A_2 = arith.constant 0 : index
    %swap3A_3 = vector.load %arg2[%swap3A, %swap3A_2] : memref<8192x128xf32, #tpu.memory_space<vmem>>, vector<8192x64xf32>
    tpu.vector_store %arg2[%swap3A, %swap3A_2], %transpose3A {strides = array<i32>} : memref<8192x128xf32, #tpu.memory_space<vmem>>, vector<8192x64xf32>,
    return
  }
  func.func @transform_0(%arg0: i32) -> (i32, i32) {
    %c0_i32 = arith.constant 0 : i32
    %c0_i32_0 = arith.constant 0 : i32
    return %c0_i32, %arg0 : i32, i32
  }
  func.func @transform_1(%arg0: i32) -> (i32, i32) {
    %c0_i32 = arith.constant 0 : i32
    %c0_i32_0 = arith.constant 0 : i32
    return %arg0, %c0_i32 : i32, i32
  }
}

module attributes {stable_mosaic.version = 14 : i64} {
  func.func @_pad_t_body(%arg0: i32, %arg1: memref<64x8192xf32, #tpu.memory_space<vmem>>, %arg2: memref<8192x128xf32, #tpu.memory_space<vmem>>) attributes {dimension_semantics = [#tpu.dimension_semantics<arbitrary>], iteration_bounds = array<i64: 13>, scalar_prefetch = 0 : i64, scratch_operands = 0 : i64, tpu.core_type = #tpu.core_type<tc>, window_params = [{transform_indices = @transform_0, window_bounds = array<i64: 64, 8192>}, {transform_indices = @transform_1, window_bounds = array<i64: 8192, 128>}]} {
    %get3A = arith.constant 0 : index
    %get3A_0 = arith.constant 0 : index
    %get3A_1 = vector.load %arg1[%get3A, %get3A_0] : memref<64x8192xf32, #tpu.memory_space<vmem>>, vector<64x8192xf32>
    %transpose3A = tpu.transpose %get3A_1, [1, 0] : vector<64x8192xf32> -> vector<8192x64xf32>
    %swap3A = arith.constant 0 : index
    %swap3A_2 = arith.constant 0 : index
    %swap3A_3 = vector.load %arg2[%swap3A, %swap3A_2] : memref<8192x128xf32, #tpu.memory_space<vmem>>, vector<8192x64xf32>
    tpu.vector_store %arg2[%swap3A, %swap3A_2], %transpose3A {strides = array<i32>} : memref<8192x128xf32, #tpu.memory_space<vmem>>, vector<8192x64xf32>,
    return
  }
  func.func @transform_0(%arg0: i32) -> (i32, i32) {
    %c0_i32 = arith.constant 0 : i32
    %c0_i32_0 = arith.constant 0 : i32
    return %c0_i32, %arg0 : i32, i32
  }
  func.func @transform_1(%arg0: i32) -> (i32, i32) {
    %c0_i32 = arith.constant 0 : i32
    %c0_i32_0 = arith.constant 0 : i32
    return %arg0, %c0_i32 : i32, i32
  }
}

module attributes {stable_mosaic.version = 14 : i64} {
  func.func @_tc_body(%arg0: i32, %arg1: memref<1x2048xf32, #tpu.memory_space<vmem>>, %arg2: memref<2048x512xf32, #tpu.memory_space<vmem>>, %arg3: memref<1x2048xi32, #tpu.memory_space<vmem>>, %arg4: memref<3x2048xf32, #tpu.memory_space<vmem>>, %arg5: memref<32x1xf32, #tpu.memory_space<vmem>>, %arg6: memref<32x1xf32, #tpu.memory_space<vmem>>, %arg7: memref<512x64xf32, #tpu.memory_space<vmem>>, %arg8: memref<64x1xf32, #tpu.memory_space<vmem>>, %arg9: memref<100x64xf32, #tpu.memory_space<vmem>>, %arg10: memref<64x2048xf32, #tpu.memory_space<vmem>>, %arg11: memref<64x2048xf32, #tpu.memory_space<vmem>>, %arg12: memref<64x2048xf32, #tpu.memory_space<vmem>>, %arg13: memref<192x2048xf32, #tpu.memory_space<vmem>>) attributes {dimension_semantics = [#tpu.dimension_semantics<arbitrary>], iteration_bounds = array<i64: 8>, scalar_prefetch = 0 : i64, scratch_operands = 0 : i64, tpu.core_type = #tpu.core_type<tc>, window_params = [{transform_indices = @transform_0, window_bounds = array<i64: 1, 2048>}, {transform_indices = @transform_1, window_bounds = array<i64: 2048, 512>}, {transform_indices = @transform_2, window_bounds = array<i64: 1, 2048>}, {transform_indices = @transform_3, window_bounds = array<i64: 3, 2048>}, {pipeline_mode = #tpu.pipeline_mode<synchronous>, transform_indices = @transform_4, window_bounds = array<i64: 32, 1>}, {pipeline_mode = #tpu.pipeline_mode<synchronous>, transform_indices = @transform_5, window_bounds = array<i64: 32, 1>}, {pipeline_mode = #tpu.pipeline_mode<synchronous>, transform_indices = @transform_6, window_bounds = array<i64: 512, 64>}, {pipeline_mode = #tpu.pipeline_mode<synchronous>, transform_indices = @transform_7, window_bounds = array<i64: 64, 1>}, {pipeline_mode = #tpu.pipeline_mode<synchronous>, transform_indices = @transform_8, window_bounds = array<i64: 100, 64>}, {transform_indices = @transform_9, window_bounds = array<i64: 64, 2048>}, {transform_indices = @transform_10, window_bounds = array<i64: 64, 2048>}, {transform_indices = @transform_11, window_bounds = array<i64: 64, 2048>}, {transform_indices = @transform_12, window_bounds = array<i64: 192, 2048>}]} {
    %get3A = arith.constant 0 : index
    %get3A_0 = arith.constant 0 : index
    %get3A_1 = vector.load %arg5[%get3A, %get3A_0] : memref<32x1xf32, #tpu.memory_space<vmem>>, vector<32x1xf32>
    %get3A_2 = arith.constant 0 : index
    %get3A_3 = arith.constant 0 : index
    %get3A_4 = vector.load %arg1[%get3A_2, %get3A_3] : memref<1x2048xf32, #tpu.memory_space<vmem>>, vector<1x2048xf32>
    %mul3A = vector.broadcast %get3A_1 : vector<32x1xf32> to vector<32x2048xf32>
    %mul3A_5 = vector.broadcast %get3A_4 : vector<1x2048xf32> to vector<32x2048xf32>
    %mul3A_6 = arith.mulf %mul3A, %mul3A_5 : vector<32x2048xf32>
    %add3A = arith.constant 5.000000e-01 : f32
    %add3A_7 = vector.broadcast %add3A : f32 to vector<32x2048xf32>
    %add3A_8 = arith.addf %mul3A_6, %add3A_7 : vector<32x2048xf32>
    %floor3A = math.floor %add3A_8 : vector<32x2048xf32>
    %sub3A = arith.subf %mul3A_6, %floor3A : vector<32x2048xf32>
    %mul3A_9 = arith.mulf %sub3A, %sub3A : vector<32x2048xf32>
    %mul3A_10 = arith.constant 3.395650e+01 : f32
    %mul3A_11 = vector.broadcast %mul3A_10 : f32 to vector<32x2048xf32>
    %mul3A_12 = arith.mulf %mul3A_11, %mul3A_9 : vector<32x2048xf32>
    %add3A_13 = arith.constant -75.0932769 : f32
    %add3A_14 = vector.broadcast %add3A_13 : f32 to vector<32x2048xf32>
    %add3A_15 = arith.addf %mul3A_12, %add3A_14 : vector<32x2048xf32>
    %mul3A_16 = arith.mulf %add3A_15, %mul3A_9 : vector<32x2048xf32>
    %add3A_17 = arith.constant 81.4731292 : f32
    %add3A_18 = vector.broadcast %add3A_17 : f32 to vector<32x2048xf32>
    %add3A_19 = arith.addf %mul3A_16, %add3A_18 : vector<32x2048xf32>
    %mul3A_20 = arith.mulf %add3A_19, %mul3A_9 : vector<32x2048xf32>
    %add3A_21 = arith.constant -41.3379288 : f32
    %add3A_22 = vector.broadcast %add3A_21 : f32 to vector<32x2048xf32>
    %add3A_23 = arith.addf %mul3A_20, %add3A_22 : vector<32x2048xf32>
    %mul3A_24 = arith.mulf %add3A_23, %mul3A_9 : vector<32x2048xf32>
    %add3A_25 = arith.constant 6.28316832 : f32
    %add3A_26 = vector.broadcast %add3A_25 : f32 to vector<32x2048xf32>
    %add3A_27 = arith.addf %mul3A_24, %add3A_26 : vector<32x2048xf32>
    %mul3A_28 = arith.mulf %add3A_27, %sub3A : vector<32x2048xf32>
    %mul3A_29 = arith.constant -21.2829952 : f32
    %mul3A_30 = vector.broadcast %mul3A_29 : f32 to vector<32x2048xf32>
    %mul3A_31 = arith.mulf %mul3A_30, %mul3A_9 : vector<32x2048xf32>
    %add3A_32 = arith.constant 58.9125366 : f32
    %add3A_33 = vector.broadcast %add3A_32 : f32 to vector<32x2048xf32>
    %add3A_34 = arith.addf %mul3A_31, %add3A_33 : vector<32x2048xf32>
    %mul3A_35 = arith.mulf %add3A_34, %mul3A_9 : vector<32x2048xf32>
    %add3A_36 = arith.constant -85.2959671 : f32
    %add3A_37 = vector.broadcast %add3A_36 : f32 to vector<32x2048xf32>
    %add3A_38 = arith.addf %mul3A_35, %add3A_37 : vector<32x2048xf32>
    %mul3A_39 = arith.mulf %add3A_38, %mul3A_9 : vector<32x2048xf32>
    %add3A_40 = arith.constant 64.9306107 : f32
    %add3A_41 = vector.broadcast %add3A_40 : f32 to vector<32x2048xf32>
    %add3A_42 = arith.addf %mul3A_39, %add3A_41 : vector<32x2048xf32>
    %mul3A_43 = arith.mulf %add3A_42, %mul3A_9 : vector<32x2048xf32>
    %add3A_44 = arith.constant -19.7390347 : f32
    %add3A_45 = vector.broadcast %add3A_44 : f32 to vector<32x2048xf32>
    %add3A_46 = arith.addf %mul3A_43, %add3A_45 : vector<32x2048xf32>
    %mul3A_47 = arith.mulf %add3A_46, %mul3A_9 : vector<32x2048xf32>
    %add3A_48 = arith.constant 0.999999463 : f32
    %add3A_49 = vector.broadcast %add3A_48 : f32 to vector<32x2048xf32>
    %add3A_50 = arith.addf %mul3A_47, %add3A_49 : vector<32x2048xf32>
    %swap3A = arith.constant 0 : index
    %swap3A_51 = arith.constant 0 : index
    %swap3A_52 = vector.load %arg10[%swap3A, %swap3A_51] : memref<64x2048xf32, #tpu.memory_space<vmem>>, vector<32x2048xf32>
    tpu.vector_store %arg10[%swap3A, %swap3A_51], %mul3A_28 {strides = array<i32>} : memref<64x2048xf32, #tpu.memory_space<vmem>>, vector<32x2048xf32>,
    %swap3A_53 = arith.constant 32 : index
    %swap3A_54 = arith.constant 0 : index
    %swap3A_55 = vector.load %arg10[%swap3A_53, %swap3A_54] : memref<64x2048xf32, #tpu.memory_space<vmem>>, vector<32x2048xf32>
    tpu.vector_store %arg10[%swap3A_53, %swap3A_54], %add3A_50 {strides = array<i32>} : memref<64x2048xf32, #tpu.memory_space<vmem>>, vector<32x2048xf32>,
    %get3A_56 = arith.constant 0 : index
    %get3A_57 = arith.constant 0 : index
    %get3A_58 = vector.load %arg7[%get3A_56, %get3A_57] : memref<512x64xf32, #tpu.memory_space<vmem>>, vector<512x64xf32>
    %get3A_59 = arith.constant 0 : index
    %get3A_60 = arith.constant 0 : index
    %get3A_61 = vector.load %arg2[%get3A_59, %get3A_60] : memref<2048x512xf32, #tpu.memory_space<vmem>>, vector<2048x512xf32>
    %dot_general3A = arith.constant dense<0.000000e+00> : vector<64x2048xf32>
    %dot_general3A_62 = tpu.matmul %get3A_58, %get3A_61, %dot_general3A {dimension_numbers = #tpu.dot_dimension_numbers<[0], [1], [1], [0], [0, 1, 1, 0], [], []>, transpose_lhs_hint = false} : vector<512x64xf32>, vector<2048x512xf32>, vector<64x2048xf32> -> vector<64x2048xf32>
    %get3A_63 = arith.constant 0 : index
    %get3A_64 = arith.constant 0 : index
    %get3A_65 = vector.load %arg8[%get3A_63, %get3A_64] : memref<64x1xf32, #tpu.memory_space<vmem>>, vector<64x1xf32>
    %add3A_66 = vector.broadcast %get3A_65 : vector<64x1xf32> to vector<64x2048xf32>
    %add3A_67 = arith.addf %dot_general3A_62, %add3A_66 : vector<64x2048xf32>
    %swap3A_68 = arith.constant 0 : index
    %swap3A_69 = arith.constant 0 : index
    %swap3A_70 = vector.load %arg11[%swap3A_68, %swap3A_69] : memref<64x2048xf32, #tpu.memory_space<vmem>>, vector<64x2048xf32>
    tpu.vector_store %arg11[%swap3A_68, %swap3A_69], %add3A_67 {strides = array<i32>} : memref<64x2048xf32, #tpu.memory_space<vmem>>, vector<64x2048xf32>,
    %get3A_71 = arith.constant 0 : index
    %get3A_72 = arith.constant 0 : index
    %get3A_73 = vector.load %arg3[%get3A_71, %get3A_72] : memref<1x2048xi32, #tpu.memory_space<vmem>>, vector<1x2048xi32>
    %iota3A = tpu.iota {dimensions = array<i32: 0>} : vector<100x2048xi32>
    %eq3A = vector.broadcast %get3A_73 : vector<1x2048xi32> to vector<100x2048xi32>
    %eq3A_74 = arith.cmpi eq, %iota3A, %eq3A : vector<100x2048xi32>
    %convert_element_type3A = arith.extui %eq3A_74 : vector<100x2048xi1> to vector<100x2048xi32>
    %convert_element_type3A_75 = arith.sitofp %convert_element_type3A : vector<100x2048xi32> to vector<100x2048xf32>
    %get3A_76 = arith.constant 0 : index
    %get3A_77 = arith.constant 0 : index
    %get3A_78 = vector.load %arg9[%get3A_76, %get3A_77] : memref<100x64xf32, #tpu.memory_space<vmem>>, vector<100x64xf32>
    %dot_general3A_79 = arith.constant dense<0.000000e+00> : vector<64x2048xf32>
    %dot_general3A_80 = tpu.matmul %get3A_78, %convert_element_type3A_75, %dot_general3A_79 {dimension_numbers = #tpu.dot_dimension_numbers<[0], [0], [1], [1], [0, 1, 1, 1], [], []>, transpose_lhs_hint = false} : vector<100x64xf32>, vector<100x2048xf32>, vector<64x2048xf32> -> vector<64x2048xf32>
    %swap3A_81 = arith.constant 0 : index
    %swap3A_82 = arith.constant 0 : index
    %swap3A_83 = vector.load %arg12[%swap3A_81, %swap3A_82] : memref<64x2048xf32, #tpu.memory_space<vmem>>, vector<64x2048xf32>
    tpu.vector_store %arg12[%swap3A_81, %swap3A_82], %dot_general3A_80 {strides = array<i32>} : memref<64x2048xf32, #tpu.memory_space<vmem>>, vector<64x2048xf32>,
    %get3A_84 = arith.constant 0 : index
    %get3A_85 = arith.constant 0 : index
    %get3A_86 = vector.load %arg6[%get3A_84, %get3A_85] : memref<32x1xf32, #tpu.memory_space<vmem>>, vector<32x1xf32>
    %get3A_87 = arith.constant 0 : index
    %get3A_88 = arith.constant 0 : index
    %get3A_89 = vector.load %arg4[%get3A_87, %get3A_88] : memref<3x2048xf32, #tpu.memory_space<vmem>>, vector<1x2048xf32>
    %mul3A_90 = vector.broadcast %get3A_86 : vector<32x1xf32> to vector<32x2048xf32>
    %mul3A_91 = vector.broadcast %get3A_89 : vector<1x2048xf32> to vector<32x2048xf32>
    %mul3A_92 = arith.mulf %mul3A_90, %mul3A_91 : vector<32x2048xf32>
    %add3A_93 = arith.constant 5.000000e-01 : f32
    %add3A_94 = vector.broadcast %add3A_93 : f32 to vector<32x2048xf32>
    %add3A_95 = arith.addf %mul3A_92, %add3A_94 : vector<32x2048xf32>
    %floor3A_96 = math.floor %add3A_95 : vector<32x2048xf32>
    %sub3A_97 = arith.subf %mul3A_92, %floor3A_96 : vector<32x2048xf32>
    %mul3A_98 = arith.mulf %sub3A_97, %sub3A_97 : vector<32x2048xf32>
    %mul3A_99 = arith.constant 3.395650e+01 : f32
    %mul3A_100 = vector.broadcast %mul3A_99 : f32 to vector<32x2048xf32>
    %mul3A_101 = arith.mulf %mul3A_100, %mul3A_98 : vector<32x2048xf32>
    %add3A_102 = arith.constant -75.0932769 : f32
    %add3A_103 = vector.broadcast %add3A_102 : f32 to vector<32x2048xf32>
    %add3A_104 = arith.addf %mul3A_101, %add3A_103 : vector<32x2048xf32>
    %mul3A_105 = arith.mulf %add3A_104, %mul3A_98 : vector<32x2048xf32>
    %add3A_106 = arith.constant 81.4731292 : f32
    %add3A_107 = vector.broadcast %add3A_106 : f32 to vector<32x2048xf32>
    %add3A_108 = arith.addf %mul3A_105, %add3A_107 : vector<32x2048xf32>
    %mul3A_109 = arith.mulf %add3A_108, %mul3A_98 : vector<32x2048xf32>
    %add3A_110 = arith.constant -41.3379288 : f32
    %add3A_111 = vector.broadcast %add3A_110 : f32 to vector<32x2048xf32>
    %add3A_112 = arith.addf %mul3A_109, %add3A_111 : vector<32x2048xf32>
    %mul3A_113 = arith.mulf %add3A_112, %mul3A_98 : vector<32x2048xf32>
    %add3A_114 = arith.constant 6.28316832 : f32
    %add3A_115 = vector.broadcast %add3A_114 : f32 to vector<32x2048xf32>
    %add3A_116 = arith.addf %mul3A_113, %add3A_115 : vector<32x2048xf32>
    %mul3A_117 = arith.mulf %add3A_116, %sub3A_97 : vector<32x2048xf32>
    %mul3A_118 = arith.constant -21.2829952 : f32
    %mul3A_119 = vector.broadcast %mul3A_118 : f32 to vector<32x2048xf32>
    %mul3A_120 = arith.mulf %mul3A_119, %mul3A_98 : vector<32x2048xf32>
    %add3A_121 = arith.constant 58.9125366 : f32
    %add3A_122 = vector.broadcast %add3A_121 : f32 to vector<32x2048xf32>
    %add3A_123 = arith.addf %mul3A_120, %add3A_122 : vector<32x2048xf32>
    %mul3A_124 = arith.mulf %add3A_123, %mul3A_98 : vector<32x2048xf32>
    %add3A_125 = arith.constant -85.2959671 : f32
    %add3A_126 = vector.broadcast %add3A_125 : f32 to vector<32x2048xf32>
    %add3A_127 = arith.addf %mul3A_124, %add3A_126 : vector<32x2048xf32>
    %mul3A_128 = arith.mulf %add3A_127, %mul3A_98 : vector<32x2048xf32>
    %add3A_129 = arith.constant 64.9306107 : f32
    %add3A_130 = vector.broadcast %add3A_129 : f32 to vector<32x2048xf32>
    %add3A_131 = arith.addf %mul3A_128, %add3A_130 : vector<32x2048xf32>
    %mul3A_132 = arith.mulf %add3A_131, %mul3A_98 : vector<32x2048xf32>
    %add3A_133 = arith.constant -19.7390347 : f32
    %add3A_134 = vector.broadcast %add3A_133 : f32 to vector<32x2048xf32>
    %add3A_135 = arith.addf %mul3A_132, %add3A_134 : vector<32x2048xf32>
    %mul3A_136 = arith.mulf %add3A_135, %mul3A_98 : vector<32x2048xf32>
    %add3A_137 = arith.constant 0.999999463 : f32
    %add3A_138 = vector.broadcast %add3A_137 : f32 to vector<32x2048xf32>
    %add3A_139 = arith.addf %mul3A_136, %add3A_138 : vector<32x2048xf32>
    %swap3A_140 = arith.constant 0 : index
    %swap3A_141 = arith.constant 0 : index
    %swap3A_142 = vector.load %arg13[%swap3A_140, %swap3A_141] : memref<192x2048xf32, #tpu.memory_space<vmem>>, vector<32x2048xf32>
    tpu.vector_store %arg13[%swap3A_140, %swap3A_141], %mul3A_117 {strides = array<i32>} : memref<192x2048xf32, #tpu.memory_space<vmem>>, vector<32x2048xf32>,
    %swap3A_143 = arith.constant 32 : index
    %swap3A_144 = arith.constant 0 : index
    %swap3A_145 = vector.load %arg13[%swap3A_143, %swap3A_144] : memref<192x2048xf32, #tpu.memory_space<vmem>>, vector<32x2048xf32>
    tpu.vector_store %arg13[%swap3A_143, %swap3A_144], %add3A_139 {strides = array<i32>} : memref<192x2048xf32, #tpu.memory_space<vmem>>, vector<32x2048xf32>,
    %get3A_146 = arith.constant 0 : index
    %get3A_147 = arith.constant 0 : index
    %get3A_148 = vector.load %arg6[%get3A_146, %get3A_147] : memref<32x1xf32, #tpu.memory_space<vmem>>, vector<32x1xf32>
    %get3A_149 = arith.constant 1 : index
    %get3A_150 = arith.constant 0 : index
    %get3A_151 = vector.load %arg4[%get3A_149, %get3A_150] : memref<3x2048xf32, #tpu.memory_space<vmem>>, vector<1x2048xf32>
    %mul3A_152 = vector.broadcast %get3A_148 : vector<32x1xf32> to vector<32x2048xf32>
    %mul3A_153 = vector.broadcast %get3A_151 : vector<1x2048xf32> to vector<32x2048xf32>
    %mul3A_154 = arith.mulf %mul3A_152, %mul3A_153 : vector<32x2048xf32>
    %add3A_155 = arith.constant 5.000000e-01 : f32
    %add3A_156 = vector.broadcast %add3A_155 : f32 to vector<32x2048xf32>
    %add3A_157 = arith.addf %mul3A_154, %add3A_156 : vector<32x2048xf32>
    %floor3A_158 = math.floor %add3A_157 : vector<32x2048xf32>
    %sub3A_159 = arith.subf %mul3A_154, %floor3A_158 : vector<32x2048xf32>
    %mul3A_160 = arith.mulf %sub3A_159, %sub3A_159 : vector<32x2048xf32>
    %mul3A_161 = arith.constant 3.395650e+01 : f32
    %mul3A_162 = vector.broadcast %mul3A_161 : f32 to vector<32x2048xf32>
    %mul3A_163 = arith.mulf %mul3A_162, %mul3A_160 : vector<32x2048xf32>
    %add3A_164 = arith.constant -75.0932769 : f32
    %add3A_165 = vector.broadcast %add3A_164 : f32 to vector<32x2048xf32>
    %add3A_166 = arith.addf %mul3A_163, %add3A_165 : vector<32x2048xf32>
    %mul3A_167 = arith.mulf %add3A_166, %mul3A_160 : vector<32x2048xf32>
    %add3A_168 = arith.constant 81.4731292 : f32
    %add3A_169 = vector.broadcast %add3A_168 : f32 to vector<32x2048xf32>
    %add3A_170 = arith.addf %mul3A_167, %add3A_169 : vector<32x2048xf32>
    %mul3A_171 = arith.mulf %add3A_170, %mul3A_160 : vector<32x2048xf32>
    %add3A_172 = arith.constant -41.3379288 : f32
    %add3A_173 = vector.broadcast %add3A_172 : f32 to vector<32x2048xf32>
    %add3A_174 = arith.addf %mul3A_171, %add3A_173 : vector<32x2048xf32>
    %mul3A_175 = arith.mulf %add3A_174, %mul3A_160 : vector<32x2048xf32>
    %add3A_176 = arith.constant 6.28316832 : f32
    %add3A_177 = vector.broadcast %add3A_176 : f32 to vector<32x2048xf32>
    %add3A_178 = arith.addf %mul3A_175, %add3A_177 : vector<32x2048xf32>
    %mul3A_179 = arith.mulf %add3A_178, %sub3A_159 : vector<32x2048xf32>
    %mul3A_180 = arith.constant -21.2829952 : f32
    %mul3A_181 = vector.broadcast %mul3A_180 : f32 to vector<32x2048xf32>
    %mul3A_182 = arith.mulf %mul3A_181, %mul3A_160 : vector<32x2048xf32>
    %add3A_183 = arith.constant 58.9125366 : f32
    %add3A_184 = vector.broadcast %add3A_183 : f32 to vector<32x2048xf32>
    %add3A_185 = arith.addf %mul3A_182, %add3A_184 : vector<32x2048xf32>
    %mul3A_186 = arith.mulf %add3A_185, %mul3A_160 : vector<32x2048xf32>
    %add3A_187 = arith.constant -85.2959671 : f32
    %add3A_188 = vector.broadcast %add3A_187 : f32 to vector<32x2048xf32>
    %add3A_189 = arith.addf %mul3A_186, %add3A_188 : vector<32x2048xf32>
    %mul3A_190 = arith.mulf %add3A_189, %mul3A_160 : vector<32x2048xf32>
    %add3A_191 = arith.constant 64.9306107 : f32
    %add3A_192 = vector.broadcast %add3A_191 : f32 to vector<32x2048xf32>
    %add3A_193 = arith.addf %mul3A_190, %add3A_192 : vector<32x2048xf32>
    %mul3A_194 = arith.mulf %add3A_193, %mul3A_160 : vector<32x2048xf32>
    %add3A_195 = arith.constant -19.7390347 : f32
    %add3A_196 = vector.broadcast %add3A_195 : f32 to vector<32x2048xf32>
    %add3A_197 = arith.addf %mul3A_194, %add3A_196 : vector<32x2048xf32>
    %mul3A_198 = arith.mulf %add3A_197, %mul3A_160 : vector<32x2048xf32>
    %add3A_199 = arith.constant 0.999999463 : f32
    %add3A_200 = vector.broadcast %add3A_199 : f32 to vector<32x2048xf32>
    %add3A_201 = arith.addf %mul3A_198, %add3A_200 : vector<32x2048xf32>
    %swap3A_202 = arith.constant 64 : index
    %swap3A_203 = arith.constant 0 : index
    %swap3A_204 = vector.load %arg13[%swap3A_202, %swap3A_203] : memref<192x2048xf32, #tpu.memory_space<vmem>>, vector<32x2048xf32>
    tpu.vector_store %arg13[%swap3A_202, %swap3A_203], %mul3A_179 {strides = array<i32>} : memref<192x2048xf32, #tpu.memory_space<vmem>>, vector<32x2048xf32>,
    %swap3A_205 = arith.constant 96 : index
    %swap3A_206 = arith.constant 0 : index
    %swap3A_207 = vector.load %arg13[%swap3A_205, %swap3A_206] : memref<192x2048xf32, #tpu.memory_space<vmem>>, vector<32x2048xf32>
    tpu.vector_store %arg13[%swap3A_205, %swap3A_206], %add3A_201 {strides = array<i32>} : memref<192x2048xf32, #tpu.memory_space<vmem>>, vector<32x2048xf32>,
    %get3A_208 = arith.constant 0 : index
    %get3A_209 = arith.constant 0 : index
    %get3A_210 = vector.load %arg6[%get3A_208, %get3A_209] : memref<32x1xf32, #tpu.memory_space<vmem>>, vector<32x1xf32>
    %get3A_211 = arith.constant 2 : index
    %get3A_212 = arith.constant 0 : index
    %get3A_213 = vector.load %arg4[%get3A_211, %get3A_212] : memref<3x2048xf32, #tpu.memory_space<vmem>>, vector<1x2048xf32>
    %mul3A_214 = vector.broadcast %get3A_210 : vector<32x1xf32> to vector<32x2048xf32>
    %mul3A_215 = vector.broadcast %get3A_213 : vector<1x2048xf32> to vector<32x2048xf32>
    %mul3A_216 = arith.mulf %mul3A_214, %mul3A_215 : vector<32x2048xf32>
    %add3A_217 = arith.constant 5.000000e-01 : f32
    %add3A_218 = vector.broadcast %add3A_217 : f32 to vector<32x2048xf32>
    %add3A_219 = arith.addf %mul3A_216, %add3A_218 : vector<32x2048xf32>
    %floor3A_220 = math.floor %add3A_219 : vector<32x2048xf32>
    %sub3A_221 = arith.subf %mul3A_216, %floor3A_220 : vector<32x2048xf32>
    %mul3A_222 = arith.mulf %sub3A_221, %sub3A_221 : vector<32x2048xf32>
    %mul3A_223 = arith.constant 3.395650e+01 : f32
    %mul3A_224 = vector.broadcast %mul3A_223 : f32 to vector<32x2048xf32>
    %mul3A_225 = arith.mulf %mul3A_224, %mul3A_222 : vector<32x2048xf32>
    %add3A_226 = arith.constant -75.0932769 : f32
    %add3A_227 = vector.broadcast %add3A_226 : f32 to vector<32x2048xf32>
    %add3A_228 = arith.addf %mul3A_225, %add3A_227 : vector<32x2048xf32>
    %mul3A_229 = arith.mulf %add3A_228, %mul3A_222 : vector<32x2048xf32>
    %add3A_230 = arith.constant 81.4731292 : f32
    %add3A_231 = vector.broadcast %add3A_230 : f32 to vector<32x2048xf32>
    %add3A_232 = arith.addf %mul3A_229, %add3A_231 : vector<32x2048xf32>
    %mul3A_233 = arith.mulf %add3A_232, %mul3A_222 : vector<32x2048xf32>
    %add3A_234 = arith.constant -41.3379288 : f32
    %add3A_235 = vector.broadcast %add3A_234 : f32 to vector<32x2048xf32>
    %add3A_236 = arith.addf %mul3A_233, %add3A_235 : vector<32x2048xf32>
    %mul3A_237 = arith.mulf %add3A_236, %mul3A_222 : vector<32x2048xf32>
    %add3A_238 = arith.constant 6.28316832 : f32
    %add3A_239 = vector.broadcast %add3A_238 : f32 to vector<32x2048xf32>
    %add3A_240 = arith.addf %mul3A_237, %add3A_239 : vector<32x2048xf32>
    %mul3A_241 = arith.mulf %add3A_240, %sub3A_221 : vector<32x2048xf32>
    %mul3A_242 = arith.constant -21.2829952 : f32
    %mul3A_243 = vector.broadcast %mul3A_242 : f32 to vector<32x2048xf32>
    %mul3A_244 = arith.mulf %mul3A_243, %mul3A_222 : vector<32x2048xf32>
    %add3A_245 = arith.constant 58.9125366 : f32
    %add3A_246 = vector.broadcast %add3A_245 : f32 to vector<32x2048xf32>
    %add3A_247 = arith.addf %mul3A_244, %add3A_246 : vector<32x2048xf32>
    %mul3A_248 = arith.mulf %add3A_247, %mul3A_222 : vector<32x2048xf32>
    %add3A_249 = arith.constant -85.2959671 : f32
    %add3A_250 = vector.broadcast %add3A_249 : f32 to vector<32x2048xf32>
    %add3A_251 = arith.addf %mul3A_248, %add3A_250 : vector<32x2048xf32>
    %mul3A_252 = arith.mulf %add3A_251, %mul3A_222 : vector<32x2048xf32>
    %add3A_253 = arith.constant 64.9306107 : f32
    %add3A_254 = vector.broadcast %add3A_253 : f32 to vector<32x2048xf32>
    %add3A_255 = arith.addf %mul3A_252, %add3A_254 : vector<32x2048xf32>
    %mul3A_256 = arith.mulf %add3A_255, %mul3A_222 : vector<32x2048xf32>
    %add3A_257 = arith.constant -19.7390347 : f32
    %add3A_258 = vector.broadcast %add3A_257 : f32 to vector<32x2048xf32>
    %add3A_259 = arith.addf %mul3A_256, %add3A_258 : vector<32x2048xf32>
    %mul3A_260 = arith.mulf %add3A_259, %mul3A_222 : vector<32x2048xf32>
    %add3A_261 = arith.constant 0.999999463 : f32
    %add3A_262 = vector.broadcast %add3A_261 : f32 to vector<32x2048xf32>
    %add3A_263 = arith.addf %mul3A_260, %add3A_262 : vector<32x2048xf32>
    %swap3A_264 = arith.constant 128 : index
    %swap3A_265 = arith.constant 0 : index
    %swap3A_266 = vector.load %arg13[%swap3A_264, %swap3A_265] : memref<192x2048xf32, #tpu.memory_space<vmem>>, vector<32x2048xf32>
    tpu.vector_store %arg13[%swap3A_264, %swap3A_265], %mul3A_241 {strides = array<i32>} : memref<192x2048xf32, #tpu.memory_space<vmem>>, vector<32x2048xf32>,
    %swap3A_267 = arith.constant 160 : index
    %swap3A_268 = arith.constant 0 : index
    %swap3A_269 = vector.load %arg13[%swap3A_267, %swap3A_268] : memref<192x2048xf32, #tpu.memory_space<vmem>>, vector<32x2048xf32>
    tpu.vector_store %arg13[%swap3A_267, %swap3A_268], %add3A_263 {strides = array<i32>} : memref<192x2048xf32, #tpu.memory_space<vmem>>, vector<32x2048xf32>,
    return
  }
  func.func @transform_0(%arg0: i32) -> (i32, i32) {
    %c0_i32 = arith.constant 0 : i32
    %c0_i32_0 = arith.constant 0 : i32
    return %c0_i32, %arg0 : i32, i32
  }
  func.func @transform_1(%arg0: i32) -> (i32, i32) {
    %c0_i32 = arith.constant 0 : i32
    %c0_i32_0 = arith.constant 0 : i32
    return %arg0, %c0_i32 : i32, i32
  }
  func.func @transform_2(%arg0: i32) -> (i32, i32) {
    %c0_i32 = arith.constant 0 : i32
    %c0_i32_0 = arith.constant 0 : i32
    return %c0_i32, %arg0 : i32, i32
  }
  func.func @transform_3(%arg0: i32) -> (i32, i32) {
    %c0_i32 = arith.constant 0 : i32
    %c0_i32_0 = arith.constant 0 : i32
    return %c0_i32, %arg0 : i32, i32
  }
  func.func @transform_4(%arg0: i32) -> (i32, i32) {
    %c0_i32 = arith.constant 0 : i32
    %c0_i32_0 = arith.constant 0 : i32
    %c0_i32_1 = arith.constant 0 : i32
    return %c0_i32, %c0_i32_0 : i32, i32
  }
  func.func @transform_5(%arg0: i32) -> (i32, i32) {
    %c0_i32 = arith.constant 0 : i32
    %c0_i32_0 = arith.constant 0 : i32
    %c0_i32_1 = arith.constant 0 : i32
    return %c0_i32, %c0_i32_0 : i32, i32
  }
  func.func @transform_6(%arg0: i32) -> (i32, i32) {
    %c0_i32 = arith.constant 0 : i32
    %c0_i32_0 = arith.constant 0 : i32
    %c0_i32_1 = arith.constant 0 : i32
    return %c0_i32, %c0_i32_0 : i32, i32
  }
  func.func @transform_7(%arg0: i32) -> (i32, i32) {
    %c0_i32 = arith.constant 0 : i32
    %c0_i32_0 = arith.constant 0 : i32
    %c0_i32_1 = arith.constant 0 : i32
    return %c0_i32, %c0_i32_0 : i32, i32
  }
  func.func @transform_8(%arg0: i32) -> (i32, i32) {
    %c0_i32 = arith.constant 0 : i32
    %c0_i32_0 = arith.constant 0 : i32
    %c0_i32_1 = arith.constant 0 : i32
    return %c0_i32, %c0_i32_0 : i32, i32
  }
  func.func @transform_9(%arg0: i32) -> (i32, i32) {
    %c0_i32 = arith.constant 0 : i32
    %c0_i32_0 = arith.constant 0 : i32
    return %c0_i32, %arg0 : i32, i32
  }
  func.func @transform_10(%arg0: i32) -> (i32, i32) {
    %c0_i32 = arith.constant 0 : i32
    %c0_i32_0 = arith.constant 0 : i32
    return %c0_i32, %arg0 : i32, i32
  }
  func.func @transform_11(%arg0: i32) -> (i32, i32) {
    %c0_i32 = arith.constant 0 : i32
    %c0_i32_0 = arith.constant 0 : i32
    return %c0_i32, %arg0 : i32, i32
  }
  func.func @transform_12(%arg0: i32) -> (i32, i32) {
    %c0_i32 = arith.constant 0 : i32
    %c0_i32_0 = arith.constant 0 : i32
    return %c0_i32, %arg0 : i32, i32
  }
}

module attributes {stable_mosaic.version = 14 : i64} {
  func.func @_tr_body(%arg0: i32, %arg1: memref<2048x128xf32, #tpu.memory_space<vmem>>, %arg2: memref<2048x128xf32, #tpu.memory_space<vmem>>, %arg3: memref<1x64x2048xf32, #tpu.memory_space<vmem>>, %arg4: memref<1x64x2048xf32, #tpu.memory_space<vmem>>) attributes {dimension_semantics = [#tpu.dimension_semantics<arbitrary>], iteration_bounds = array<i64: 24>, scalar_prefetch = 0 : i64, scratch_operands = 0 : i64, tpu.core_type = #tpu.core_type<tc>, window_params = [{transform_indices = @transform_0, window_bounds = array<i64: 2048, 128>}, {transform_indices = @transform_1, window_bounds = array<i64: 2048, 128>}, {transform_indices = @transform_2, window_bounds = array<i64: 1, 64, 2048>}, {transform_indices = @transform_3, window_bounds = array<i64: 1, 64, 2048>}]} {
    %get3A = arith.constant 0 : index
    %get3A_0 = arith.constant 0 : index
    %get3A_1 = vector.load %arg1[%get3A, %get3A_0] : memref<2048x128xf32, #tpu.memory_space<vmem>>, vector<2048x64xf32>
    %transpose3A = tpu.transpose %get3A_1, [1, 0] : vector<2048x64xf32> -> vector<64x2048xf32>
    %broadcast_in_dim3A = vector.shape_cast %transpose3A : vector<64x2048xf32> to vector<1x64x2048xf32>
    %swap3A = arith.constant 0 : index
    %swap3A_2 = arith.constant 0 : index
    %swap3A_3 = arith.constant 0 : index
    %swap3A_4 = vector.load %arg3[%swap3A, %swap3A_2, %swap3A_3] : memref<1x64x2048xf32, #tpu.memory_space<vmem>>, vector<1x64x2048xf32>
    tpu.vector_store %arg3[%swap3A, %swap3A_2, %swap3A_3], %broadcast_in_dim3A {strides = array<i32>} : memref<1x64x2048xf32, #tpu.memory_space<vmem>>, vector<1x64x2048xf32>,
    %get3A_5 = arith.constant 0 : index
    %get3A_6 = arith.constant 0 : index
    %get3A_7 = vector.load %arg2[%get3A_5, %get3A_6] : memref<2048x128xf32, #tpu.memory_space<vmem>>, vector<2048x64xf32>
    %transpose3A_8 = tpu.transpose %get3A_7, [1, 0] : vector<2048x64xf32> -> vector<64x2048xf32>
    %broadcast_in_dim3A_9 = vector.shape_cast %transpose3A_8 : vector<64x2048xf32> to vector<1x64x2048xf32>
    %swap3A_10 = arith.constant 0 : index
    %swap3A_11 = arith.constant 0 : index
    %swap3A_12 = arith.constant 0 : index
    %swap3A_13 = vector.load %arg4[%swap3A_10, %swap3A_11, %swap3A_12] : memref<1x64x2048xf32, #tpu.memory_space<vmem>>, vector<1x64x2048xf32>
    tpu.vector_store %arg4[%swap3A_10, %swap3A_11, %swap3A_12], %broadcast_in_dim3A_9 {strides = array<i32>} : memref<1x64x2048xf32, #tpu.memory_space<vmem>>, vector<1x64x2048xf32>,
    return
  }
  func.func @transform_0(%arg0: i32) -> (i32, i32) {
    %c0_i32 = arith.constant 0 : i32
    %c0_i32_0 = arith.constant 0 : i32
    return %arg0, %c0_i32 : i32, i32
  }
  func.func @transform_1(%arg0: i32) -> (i32, i32) {
    %c0_i32 = arith.constant 0 : i32
    %c0_i32_0 = arith.constant 0 : i32
    return %arg0, %c0_i32 : i32, i32
  }
  func.func @transform_2(%arg0: i32) -> (i32, i32, i32) {
    %jit3A = arith.constant 8 : i32
    %div3A = arith.divsi %arg0, %jit3A : i32
    %sign3A = arith.constant 0 : i32
    %sign3A_0 = arith.cmpi sgt, %arg0, %sign3A : i32
    %sign3A_1 = arith.extui %sign3A_0 : i1 to i32
    %sign3A_2 = arith.constant 0 : i32
    %sign3A_3 = arith.cmpi slt, %arg0, %sign3A_2 : i32
    %sign3A_4 = arith.extui %sign3A_3 : i1 to i32
    %sign3A_5 = arith.subi %sign3A_1, %sign3A_4 : i32
    %sign3A_6 = arith.constant 0 : i32
    %sign3A_7 = arith.cmpi sgt, %jit3A, %sign3A_6 : i32
    %sign3A_8 = arith.extui %sign3A_7 : i1 to i32
    %sign3A_9 = arith.constant 0 : i32
    %sign3A_10 = arith.cmpi slt, %jit3A, %sign3A_9 : i32
    %sign3A_11 = arith.extui %sign3A_10 : i1 to i32
    %sign3A_12 = arith.subi %sign3A_8, %sign3A_11 : i32
    %ne3A = arith.cmpi ne, %sign3A_5, %sign3A_12 : i32
    %rem3A = arith.remsi %arg0, %jit3A : i32
    %ne3A_13 = arith.constant 0 : i32
    %ne3A_14 = arith.cmpi ne, %rem3A, %ne3A_13 : i32
    %and3A = arith.andi %ne3A, %ne3A_14 : i1
    %sub3A = arith.constant 1 : i32
    %sub3A_15 = arith.subi %div3A, %sub3A : i32
    %select_n3A = arith.select %and3A, %sub3A_15, %div3A : i32
    %jit3A_16 = arith.constant 8 : i32
    %eq3A = arith.constant 0 : i32
    %eq3A_17 = arith.cmpi eq, %jit3A_16, %eq3A : i32
    %jit3A_18 = arith.constant 1 : i32
    %select_n3A_19 = arith.select %eq3A_17, %jit3A_18, %jit3A_16 : i32
    %rem3A_20 = arith.remsi %arg0, %select_n3A_19 : i32
    %ne3A_21 = arith.constant 0 : i32
    %ne3A_22 = arith.cmpi ne, %rem3A_20, %ne3A_21 : i32
    %lt3A = arith.constant 0 : i32
    %lt3A_23 = arith.cmpi slt, %rem3A_20, %lt3A : i32
    %lt3A_24 = arith.constant 0 : i32
    %lt3A_25 = arith.cmpi slt, %select_n3A_19, %lt3A_24 : i32
    %ne3A_26 = arith.xori %lt3A_23, %lt3A_25 : i1
    %and3A_27 = arith.andi %ne3A_26, %ne3A_22 : i1
    %add3A = arith.addi %rem3A_20, %select_n3A_19 : i32
    %select_n3A_28 = arith.select %and3A_27, %add3A, %rem3A_20 : i32
    %c0_i32 = arith.constant 0 : i32
    %c0_i32_29 = arith.constant 0 : i32
    return %select_n3A, %c0_i32, %select_n3A_28 : i32, i32, i32
  }
  func.func @transform_3(%arg0: i32) -> (i32, i32, i32) {
    %jit3A = arith.constant 8 : i32
    %div3A = arith.divsi %arg0, %jit3A : i32
    %sign3A = arith.constant 0 : i32
    %sign3A_0 = arith.cmpi sgt, %arg0, %sign3A : i32
    %sign3A_1 = arith.extui %sign3A_0 : i1 to i32
    %sign3A_2 = arith.constant 0 : i32
    %sign3A_3 = arith.cmpi slt, %arg0, %sign3A_2 : i32
    %sign3A_4 = arith.extui %sign3A_3 : i1 to i32
    %sign3A_5 = arith.subi %sign3A_1, %sign3A_4 : i32
    %sign3A_6 = arith.constant 0 : i32
    %sign3A_7 = arith.cmpi sgt, %jit3A, %sign3A_6 : i32
    %sign3A_8 = arith.extui %sign3A_7 : i1 to i32
    %sign3A_9 = arith.constant 0 : i32
    %sign3A_10 = arith.cmpi slt, %jit3A, %sign3A_9 : i32
    %sign3A_11 = arith.extui %sign3A_10 : i1 to i32
    %sign3A_12 = arith.subi %sign3A_8, %sign3A_11 : i32
    %ne3A = arith.cmpi ne, %sign3A_5, %sign3A_12 : i32
    %rem3A = arith.remsi %arg0, %jit3A : i32
    %ne3A_13 = arith.constant 0 : i32
    %ne3A_14 = arith.cmpi ne, %rem3A, %ne3A_13 : i32
    %and3A = arith.andi %ne3A, %ne3A_14 : i1
    %sub3A = arith.constant 1 : i32
    %sub3A_15 = arith.subi %div3A, %sub3A : i32
    %select_n3A = arith.select %and3A, %sub3A_15, %div3A : i32
    %jit3A_16 = arith.constant 8 : i32
    %eq3A = arith.constant 0 : i32
    %eq3A_17 = arith.cmpi eq, %jit3A_16, %eq3A : i32
    %jit3A_18 = arith.constant 1 : i32
    %select_n3A_19 = arith.select %eq3A_17, %jit3A_18, %jit3A_16 : i32
    %rem3A_20 = arith.remsi %arg0, %select_n3A_19 : i32
    %ne3A_21 = arith.constant 0 : i32
    %ne3A_22 = arith.cmpi ne, %rem3A_20, %ne3A_21 : i32
    %lt3A = arith.constant 0 : i32
    %lt3A_23 = arith.cmpi slt, %rem3A_20, %lt3A : i32
    %lt3A_24 = arith.constant 0 : i32
    %lt3A_25 = arith.cmpi slt, %select_n3A_19, %lt3A_24 : i32
    %ne3A_26 = arith.xori %lt3A_23, %lt3A_25 : i1
    %and3A_27 = arith.andi %ne3A_26, %ne3A_22 : i1
    %add3A = arith.addi %rem3A_20, %select_n3A_19 : i32
    %select_n3A_28 = arith.select %and3A_27, %add3A, %rem3A_20 : i32
    %c0_i32 = arith.constant 0 : i32
    %c0_i32_29 = arith.constant 0 : i32
    return %select_n3A, %c0_i32, %select_n3A_28 : i32, i32, i32
  }
}

</mosaic_0001>

<sc_bundles>
// kernel: kernel.7.cloned.1.call-start
scs
__scs_entry_jumppad:
0x0: {  	(pc) =	sbr.rel $0x88, $3  }
0x1: {  	(tag) =	ssettag $0x0;
	lr =	simm.s32 $0x1  }
0x2: {  	[smem:$0x3F94] =	sst lr;
	_ =	strace $0xD0000000  }
0x3: {  	_ = 	snop  }
0x4: {  	_ = 	snop  }
0x5: {  	_ = 	snop  }
0x6: {  	_ = 	snop  }
0x7: {  	_ = 	snop  }
__scs_overlays_trampoline_lowered:
0x8: {  	[smem:$0x3FA3] =	sst s0  }
0x9: {  	[smem:$0x3FA4] =	sst s1  }
0xa: {  	[smem:$0x3FA5] =	sst s2  }
0xb: {  	[smem:$0x3FA6] =	sst s3  }
0xc: {  	[smem:$0x3FA7] =	sst s4  }
0xd: {  	[smem:$0x3FA8] =	sst s5  }
0xe: {  	[smem:$0x3FA9] =	sst s6  }
0xf: {  	[smem:$0x3FAA] =	sst s7  }
0x10: {  	[smem:$0x3FAB] =	sst s8  }
0x11: {  	[smem:$0x3FAC] =	sst s9;
	s0 =	simm.s32 @!p0 $0x0  }
0x12: {  	s1 =	sld [smem:$0x3F92];
	s0 =	simm.s32 @p0 $0x1  }
0x13: {  	[smem:$0x3FAD] =	sst s0;
	s0 =	simm.s32 @!p1 $0x0  }
0x14: {  	s2 =	sld [smem:$0x3F91];
	s0 =	simm.s32 @p1 $0x1  }
0x15: {  	[smem:$0x3FAE] =	sst s0;
	s0 =	simm.s32 @!p2 $0x0  }
0x16: {  	s3 =	sld [smem:$0x3FDB];
	s0 =	simm.s32 @p2 $0x1  }
0x17: {  	s4 =	simm.s32 $0x1BF5;
	[smem:$0x3FB0] =	sst s0  }
0x18: {  	s0 =	sld [smem:$0x3F93];
	_ =	swait.ge [sflag:s4], $0x0  }
0x19: {  	s7 =	sld [smem:$0x3F94]  }
0x1a: {  	s8 =	sadd.s32 $0xFFFFE003, lr  }
0x1b: {  	s9 =	sadd.s32 $0xFFFFFEF7, lr;
	s5 =	simm.s32 $0xFFFFFFFF;
	p2 =	slt.u32 s8, $0xFFFFF086  }
0x1c: {  	p1 =	slt.u32 s9, $0xF7A;
	s5 =	simm.s32 @!p2 $0x0  }
0x1d: {  	s5 =	simm.s32 @p1 $0x1;
	p0 =	seq.s32 s7, s2  }
0x1e: {  	s7 =	smul.u32 @!p0 $0xF7A, s2;
	p2 =	seq.s32 @!p0 s5, $0x0  }
0x1f: {  	s9 =	smul.u32 $0xF7A, s1;
	s8 =	simm.s32 @!p0 $0x1BF5;
	p2 =	por !p2, p0  }
0x20: {  	[sflag:s8] =	ssyncset.s32 @!p0 $0xFFFFF086;
	s6 =	sadd.s32 @!p0 s3, s7;
	s7 =	simm.s32 @!p0 $0x108  }
0x21: {  	s3 =	sadd.s32 s3, s9;
	s6 =	sadd.s32 @!p0 $0x88, s6;
	s7 =	simm.s32 @p2 $0x1082  }
0x22: {  	[simem:s7], [sflag:s8] =	dma.local @!p0 [hbm:s6], $0xF7A  }
0x23: {  	s9 =	sor.u32 $0xD0000000, s2;
	s6 =	simm.s32 $0x108;
	_ =	swait.ge @!p0 [sflag:s8], $0x0  }
0x24: {  	s3 =	sadd.s32 $0x88, s3;
	s6 =	simm.s32 @!p1 $0x1082;
	[sflag:s4] =	ssyncset.s32 $0xFFFFF086  }
0x25: {  	[simem:s6], [sflag:s4] =	dma.local [hbm:s3], $0xF7A  }
0x26: {  	[smem:$0x3F94] =	sst s1;
	(tag) =	ssettag s2;
	_ =	strace s9  }
0x27: {  	s1 =	sld [smem:$0x3FA4]  }
0x28: {  	s2 =	sld [smem:$0x3FA5]  }
0x29: {  	s4 =	sld [smem:$0x3FA7]  }
0x2a: {  	p0 =	seq.s32 s5, $0x0;
	s5 =	sld [smem:$0x3FA8]  }
0x2b: {  	s6 =	sld [smem:$0x3FA9]  }
0x2c: {  	s7 =	sld [smem:$0x3FAA]  }
0x2d: {  	s3 =	simm.s32 $0x108;
	s8 =	sld [smem:$0x3FAB]  }
0x2e: {  	s3 =	simm.s32 @!p0 $0x1082;
	s9 =	sld [smem:$0x3FAC]  }
0x2f: {  	lr =	sadd.s32 s0, s3;
	s0 =	sld [smem:$0x3FA3]  }
0x30: {  	s3 =	sld [smem:$0x3FA6]  }
0x31: {  	[smem:$0x3FAF] =	sst s10  }
0x32: {  	s10 =	sld [smem:$0x3FAD];
	_ =	sdelay $0x3  }
0x33: {  	p0 =	seq.s32 s10, $0x1;
	s10 =	sld [smem:$0x3FAF];
	_ =	sdelay $0x3  }
0x34: {  	[smem:$0x3FAF] =	sst s10  }
0x35: {  	s10 =	sld [smem:$0x3FAE];
	_ =	sdelay $0x3  }
0x36: {  	p1 =	seq.s32 s10, $0x1;
	s10 =	sld [smem:$0x3FAF];
	_ =	sdelay $0x3  }
0x37: {  	[smem:$0x3FAF] =	sst s10  }
0x38: {  	s10 =	sld [smem:$0x3FB0]  }
0x39: {  	_ = 	snop;
	(pc) =	sbr.ind lr, $3  }
0x3a: {  	_ = 	snop  }
0x3b: {  	_ = 	snop  }
0x3c: {  	p2 =	seq.s32 s10, $0x1;
	s10 =	sld [smem:$0x3FAF]  }
0x3d: {  	_ =	shalt  }
0x3e: {  	_ =	shalt  }
0x3f: {  	_ =	shalt  }
0x40: {  	_ =	shalt  }
0x41: {  	_ =	shalt  }
0x42: {  	_ =	shalt  }
0x43: {  	_ =	shalt  }
0x44: {  	_ =	shalt  }
0x45: {  	_ =	shalt  }
0x46: {  	_ =	shalt  }
0x47: {  	_ =	shalt  }
0x48: {  	_ =	shalt  }
0x49: {  	_ =	shalt  }
0x4a: {  	_ =	shalt  }
0x4b: {  	_ =	shalt  }
0x4c: {  	_ =	shalt  }
0x4d: {  	_ =	shalt  }
0x4e: {  	_ =	shalt  }
0x4f: {  	_ =	shalt  }
0x50: {  	_ =	shalt  }
0x51: {  	_ =	shalt  }
0x52: {  	_ =	shalt  }
0x53: {  	_ =	shalt  }
0x54: {  	_ =	shalt  }
0x55: {  	_ =	shalt  }
0x56: {  	_ =	shalt  }
0x57: {  	_ =	shalt  }
0x58: {  	_ =	shalt  }
0x59: {  	_ =	shalt  }
0x5a: {  	_ =	shalt  }
0x5b: {  	_ =	shalt  }
0x5c: {  	_ =	shalt  }
0x5d: {  	_ =	shalt  }
0x5e: {  	_ =	shalt  }
0x5f: {  	_ =	shalt  }
0x60: {  	_ =	shalt  }
0x61: {  	_ =	shalt  }
0x62: {  	_ =	shalt  }
0x63: {  	_ =	shalt  }
0x64: {  	_ =	shalt  }
0x65: {  	_ =	shalt  }
0x66: {  	_ =	shalt  }
0x67: {  	_ =	shalt  }
0x68: {  	_ =	shalt  }
0x69: {  	_ =	shalt  }
0x6a: {  	_ =	shalt  }
0x6b: {  	_ =	shalt  }
0x6c: {  	_ =	shalt  }
0x6d: {  	_ =	shalt  }
0x6e: {  	_ =	shalt  }
0x6f: {  	_ =	shalt  }
0x70: {  	_ =	shalt  }
0x71: {  	_ =	shalt  }
0x72: {  	_ =	shalt  }
0x73: {  	_ =	shalt  }
0x74: {  	_ =	shalt  }
0x75: {  	_ =	shalt  }
0x76: {  	_ =	shalt  }
0x77: {  	_ =	shalt  }
0x78: {  	_ =	shalt  }
0x79: {  	_ =	shalt  }
0x7a: {  	_ =	shalt  }
0x7b: {  	_ =	shalt  }
0x7c: {  	_ =	shalt  }
0x7d: {  	_ =	shalt  }
0x7e: {  	_ =	shalt  }
0x7f: {  	_ =	shalt  }
0x80: {  	_ =	shalt  }
0x81: {  	_ =	shalt  }
0x82: {  	_ =	shalt  }
0x83: {  	_ =	shalt  }
0x84: {  	_ =	shalt  }
0x85: {  	_ =	shalt  }
0x86: {  	_ =	shalt  }
0x87: {  	_ =	shalt  }
.Lfunc_end0:
.L_simem_size_0:
called_computation_lowered:
.L_overlay_start_0:
0x88: {  	s2 =	sld [smem:$0x3FD9]  }
0x89: {  	s3 =	sld [smem:$0x3FFE];
	_ =	sdelay $0x1  }
0x8a: {  	s1 =	srdreg.scid  }
0x8b: {  	s0 =	sand.u32 $0x1, s1  }
0x8c: {  	s14 =	sshll.u32 s0, $0xA;
	s2 =	sadd.s32 s3, s2  }
0x8d: {  	s2 =	sadd.s32 s2, s14  }
0x8e: {  	[smem:$0x3FBB] =	sst s2  }
0x8f: {  	_ = 	snop  }
0x90: {  	s2 =	sld [smem:$0x3FD0];
	_ =	sdelay $0x2  }
0x91: {  	s15 =	simm.s32 $0xA;
	s4 =	simm.s32 $0x10  }
0x92: {  	[smem:s4], [sflag:s15] =	dma.local [hbm:s2], $0x1  }
0x93: {  	_ =	swait.eq [sflag:s15], $0x1  }
0x94: {  	[sflag:s15] =	ssyncset.done $0x0  }
0x95: {  	s16 =	sld [smem:$0x13];
	[sflag:s15] =	ssyncadd.s32 $0xFFFFFFFF  }
0x96: {  	s17 =	sld [smem:$0x14];
	(tm) =	ssettm $0x1  }
0x97: {  	s18 =	sld [smem:$0x3FFB];
	_ =	sdelay $0x3  }
0x98: {  	_ =	strace s18  }
0x99: {  	s4 =	sld [smem:$0x3FFC];
	_ =	sdelay $0x3  }
0x9a: {  	_ =	strace s4  }
0x9b: {  	s4 =	sld [smem:$0x3FFD];
	_ =	sdelay $0x3  }
0x9c: {  	_ =	strace s4  }
0x9d: {  	_ =	strace $0x8FFFFFFF  }
0x9e: {  	s19 =	sld [smem:$0x3FDB];
	_ =	sdelay $0x1  }
0x9f: {  	s5 =	simm.s32 $_scs_section_size  }
0xa0: {  	s6 =	simm.s32 $_size__tile_overlayer_lowered;
	s7 =	simm.s32 $_tile_overlayer_lowered  }
0xa1: {  	s22 =	simm.s32 $0x1BFF;
	s21 =	sshll.u32 s7, $0x1;
	s4 =	sadd.s32 s5, s19  }
0xa2: {  	s8 =	simm.s32 $0x0;
	s20 =	sshll.u32 s6, $0x1;
	s6 =	sadd.s32 s21, s4  }
0xa3: {  	[timem:s8], [sflag:s22] =	dma.local [hbm:s6], s20  }
0xa4: {  	_ =	swait.ge [sflag:s22], s20  }
0xa5: {  	s5 =	ssub.s32 $0x0, s20;
	[sflag:s22] =	ssyncset.done $0x0  }
0xa6: {  	[sflag:s22] =	ssyncadd.s32 s5;
	_ =	sdelay $0x1  }
0xa7: {  	s23 =	simm.s32 $0x1B8B  }
0xa8: {  	_ =	swait.ge [sflag:s23], $0x1  }
0xa9: {  	[sflag:s23] =	ssyncset.done $0x0  }
0xaa: {  	s25 =	simm.s32 $0x1B8E;
	s24 =	sld [smem:$0x3FFE];
	[sflag:s23] =	ssyncadd.s32 $0xFFFFFFFF  }
0xab: {  	s26 =	simm.s32 $execute0_lowered;
	[smem:$0x3FD2] =	sst s25  }
0xac: {  	s6 =	sshll.u32 s26, $0x1;
	_ =	strace $0x80000046;
	[dreg:$0x1] =	wrdreg $0xFFFFFFFF  }
0xad: {  	s28 =	simm.s32 $_size_execute0_lowered;
	s4 =	sadd.s32 s4, s6;
	[dreg:$0x0] =	wrdreg $0x0  }
0xae: {  	s6 =	sshll.u32 s28, $0x1;
	[dreg:$0x2] =	wrdreg s4  }
0xaf: {  	[dreg:$0x3] =	wrdreg s6  }
0xb0: {  	[dreg:$0x4] =	wrdreg $0xC0  }
0xb1: {  	_ =	task [dreg:s8], $0x5FFFF  }
0xb2: {  	[dreg:$0x1] =	wrdreg $0xFFFFFFFF  }
0xb3: {  	[dreg:$0x0] =	wrdreg $0x60  }
0xb4: {  	[dreg:$0x2] =	wrdreg s17  }
0xb5: {  	[dreg:$0x3] =	wrdreg s16  }
0xb6: {  	[dreg:$0x4] =	wrdreg s24  }
0xb7: {  	[dreg:$0x5] =	wrdreg $0x9  }
0xb8: {  	_ =	task.clear_ibuf [dreg:s8], $0x6FFFF;
	_ =	strace $0x90000046  }
0xb9: {  	s29 =	simm.s32 $0x9;
	_ =	strace $0x80000048  }
0xba: {  	_ =	swait.ge [sflag:s29], $0x1  }
0xbb: {  	[sflag:s29] =	ssyncadd.s32 $0xFFFFFFFF  }
0xbc: {  	_ =	strace $0x90000048  }
0xbd: {  	_ =	sfence  }
0xbe: {  	s30 =	sld [smem:$0x0];
	_ =	sdelay $0x2  }
0xbf: {  	s31 =	sshll.u32 s1, $0xD;
	s1 =	sshrl.u32 s1, $0x2  }
0xc0: {  	s3 =	sand.u32 $0x4000, s31;
	s1 =	sadd.s32 s1, s30  }
0xc1: {  	s0 =	sor.u32 s3, s0;
	s1 =	sshll.u32 s1, $0x11  }
0xc2: {  	s0 =	sor.u32 s1, s0  }
0xc3: {  	s0 =	sadd.s32 $0x8F2B, s0  }
0xc4: {  	[sflag:s0] =	ssyncadd.remote.s32 $0x1  }
0xc5: {  	_ =	sfence.sel $0xFFFF  }
0xc6: {  	[dreg:$0x0] =	wrdreg $0xFFFFFFFF;
	(pc) =	sbr.abs _section_cstart, $3  }
0xc7: {  	[dreg:$0x1] =	wrdreg $0xFFFFFFFF  }
0xc8: {  	_ =	task.clear_ibuf [dreg:s8], $0x2FFFF;
	_ =	strace $0x9FFFFFFF  }
0xc9: {  	(tm) =	ssettm $0x7FFFFFFF  }
tec
execute0_lowered:
.L_overlay_start_1:
0x0: {  	(tag) =	ssettag $0x1  }
0x1: {  	s0 =	rddreg [dreg:$0x0]  }
0x2: {  	s4 =	rddreg [dreg:$0x1]  }
0x3: {  	s1 =	srdreg.scid;
	s2 =	stileid.u32  }
0x4: {  	s3 =	rddreg [dreg:$0x2];
	s31 =	simm.s32 $0x200;
	s30 =	simm.s32 $0x280  }
0x5: {  	s29 =	simm.s32 $0x300;
	s1 =	sand.u32 $0x1, s1;
	s5 =	sshll.u32 s2, $0x1  }
0x6: {  	s28 =	simm.s32 $0x380;
	s2 =	simm.s32 $0x0;
	s5 =	sor.u32 s1, s5  }
0x7: {  	p0 =	por $0x0, $0x0;
	[smem:$0x7FF] =	sst s2;
	s6 =	sshll.u32 s5, $0x8  }
0x8: {  	s8 =	sadd.s32 $0x10CAE00, s3;
	_ =	strace $0x80000047;
	s0 =	sadd.s32 s0, s6  }
0x9: {  	s7 =	smul.u32 $0x6000, s5;
	s13 =	sadd.s32 s4, s6;
	[dreg:$0x4] =	wrdreg s0  }
0xa: {  	s1 =	ssub.s32 $0x2, s1;
	s5 =	smul.u32 $0x30000, s5;
	[dreg:$0x5] =	wrdreg s13  }
0xb: {  	s14 =	sadd.s32 s8, s7;
	s4 =	sor.u32 $0x800, s7;
	s0 =	sor.u32 $0x1000, s7  }
0xc: {  	s9 =	sor.u32 $0x1800, s7;
	[dreg:$0x6] =	wrdreg s14;
	s15 =	sadd.s32 s8, s4  }
0xd: {  	s5 =	sshrl.u32 s5, $0x3;
	s16 =	sadd.s32 s8, s0;
	[dreg:$0x7] =	wrdreg s15  }
0xe: {  	s17 =	sadd.s32 s8, s9;
	s10 =	sadd.s32 $0x2000, s5;
	[dreg:$0x8] =	wrdreg s16  }
0xf: {  	s11 =	sadd.s32 $0x2800, s5;
	[dreg:$0x9] =	wrdreg s17;
	s18 =	sadd.s32 s8, s10  }
0x10: {  	s12 =	sadd.s32 $0x3000, s5;
	s19 =	sadd.s32 s8, s11;
	[dreg:$0xa] =	wrdreg s18  }
0x11: {  	s13 =	sadd.s32 $0x3800, s5;
	s20 =	sadd.s32 s8, s12;
	[dreg:$0xb] =	wrdreg s19  }
0x12: {  	s14 =	sadd.s32 $0x4000, s5;
	s21 =	sadd.s32 s8, s13;
	[dreg:$0xc] =	wrdreg s20  }
0x13: {  	s22 =	sadd.s32 s8, s14;
	s15 =	sadd.s32 $0x4800, s5;
	[dreg:$0xd] =	wrdreg s21  }
0x14: {  	s16 =	sadd.s32 $0x5000, s5;
	[dreg:$0xe] =	wrdreg s22;
	s23 =	sadd.s32 s8, s15  }
0x15: {  	s5 =	sadd.s32 $0x5800, s5;
	s24 =	sadd.s32 s8, s16;
	[dreg:$0xf] =	wrdreg s23  }
0x16: {  	s17 =	sadd.s32 $0x118AE00, s3;
	s25 =	sadd.s32 s8, s5;
	[dreg:$0x10] =	wrdreg s24  }
0x17: {  	s26 =	sadd.s32 s17, s7;
	s4 =	sadd.s32 s17, s4;
	[dreg:$0x11] =	wrdreg s25  }
0x18: {  	s0 =	sadd.s32 s17, s0;
	s6 =	sadd.s32 s17, s10;
	[dreg:$0x12] =	wrdreg s26  }
0x19: {  	s7 =	sadd.s32 s17, s11;
	s8 =	sadd.s32 s17, s12;
	[dreg:$0x13] =	wrdreg s4  }
0x1a: {  	s18 =	sadd.s32 $0xF44400, s3;
	s10 =	sadd.s32 s17, s14;
	[dreg:$0x14] =	wrdreg s0  }
0x1b: {  	s11 =	sadd.s32 s17, s15;
	s12 =	sshrl.u32 s1, $0x1;
	[dreg:$0x16] =	wrdreg s6  }
0x1c: {  	s14 =	sadd.s32 s17, s5;
	s19 =	simm.s32 $0x800;
	[dreg:$0x17] =	wrdreg s7  }
0x1d: {  	s5 =	simm.s32 $0x5000;
	s22 =	simm.s32 $0x880;
	[dreg:$0x18] =	wrdreg s8  }
0x1e: {  	s21 =	simm.s32 $0x900;
	s20 =	simm.s32 $0x980;
	[dreg:$0x1a] =	wrdreg s10  }
0x1f: {  	s4 =	sadd.s32 s17, s9;
	s9 =	sadd.s32 s17, s13;
	[dreg:$0x1b] =	wrdreg s11  }
0x20: {  	s13 =	sadd.s32 s17, s16;
	s1 =	ssub.s32 s1, s12;
	[dreg:$0x1d] =	wrdreg s14  }
0x21: {  	s7 =	simm.s32 $0x1000;
	s8 =	simm.s32 $0x1;
	s25 =	simm.s32 $0x100  }
0x22: {  	s6 =	simm.s32 $0x2;
	s26 =	simm.s32 $0x180;
	s24 =	simm.s32 $0x500  }
0x23: {  	s23 =	simm.s32 $0x580;
	s17 =	simm.s32 $0xA00;
	s16 =	simm.s32 $0xA80  }
0x24: {  	s14 =	simm.s32 $0xB80;
	s0 =	rddreg [dreg:$0x4];
	s15 =	smax.u32 s1, $0x1  }
0x25: {  	s12 =	simm.s32 $0xC80;
	[dreg:$0x15] =	wrdreg s4;
	p1 =	sne.s32 s15, $0x1  }
.Ltmp0:
0x26: {  	s11 =	simm.s32 $0xD00;
	[dreg:$0x19] =	wrdreg s9;
	(pc) =	sbr.rel @!p1 .LBB2_3-.Ltmp0, $4  }
0x27: {  	s10 =	simm.s32 $0xD80;
	s4 =	sadd.s32 $0x2000, s3;
	[dreg:$0x1c] =	wrdreg s13  }
0x28: {  	s3 =	simm.s32 $0x3;
	s9 =	simm.s32 $0x80;
	[dreg:$0x1e] =	wrdreg s25  }
0x29: {  	[dreg:$0x1f] =	wrdreg s26;
	s26 =	simm.s32 $0x400;
	s25 =	simm.s32 $0x480  }
0x2a: {  	s13 =	simm.s32 $0xC00;
	s1 =	sadd.s32 $0xFFFFFFFF, s15;
	s15 =	simm.s32 $0xB00  }
0x2b: {  	[tilespmem:s2], [sflag:$0x3] =	stream.linear.gather [hbm4b:s0+s2], $0x800, $0x38;
	[tilespmem:$0x9000] =	vst v63  }
0x2c: {  	_ =	swait.ge [sflag:s3], $0x800  }
0x2d: {  	[sflag:s3] =	ssyncset.done $0x0  }
0x2e: {  	s0 =	rddreg [dreg:$0x5];
	[sflag:s3] =	ssyncadd.s32 $0xFFFFF800  }
0x2f: {  	[tilespmem:s19], [sflag:$0x3] =	stream.linear.gather [hbm4b:s0+s2], $0x800, $0x38;
	[tilespmem:$0x9000] =	vst v63  }
0x30: {  	_ =	swait.ge [sflag:s3], $0x800  }
0x31: {  	[sflag:s3] =	ssyncset.done $0x0  }
0x32: {  	[sflag:s3] =	ssyncadd.s32 $0xFFFFF800  }
0x33: {  	[tilespmem:s7], [sflag:$0x1] =	stream.indirect.gather [hbm4b:s18+s9], $0x80, s2, s9, $0xb8;
	[tilespmem:$0x9000] =	vst v63  }
0x34: {  	_ = 	snop  }
0x35: {  	[tilespmem:s5], [sflag:$0x2] =	stream.indirect.gather [hbm4b:s18+s9], $0x80, s9, s9, $0xb8;
	[tilespmem:$0x9000] =	vst v63  }
0x36: {  	_ =	swait.ge [sflag:s8], $0x4000  }
0x37: {  	[sflag:s8] =	ssyncset.done $0x0  }
0x38: {  	s0 =	rddreg [dreg:$0x6];
	[sflag:s8] =	ssyncadd.s32 $0xFFFFC000  }
0x39: {  	[hbm4b:s0+s2] =	stream.linear.scatter [tilespmem:s7], [sflag:$0x3], $0x4000, $0x38;
	[tilespmem:$0x9000] =	vst v63  }
0x3a: {  	_ =	swait.ge [sflag:s3], $0x4000  }
0x3b: {  	[sflag:s3] =	ssyncset.done $0x0  }
0x3c: {  	s0 =	rddreg [dreg:$0x1e];
	[sflag:s3] =	ssyncadd.s32 $0xFFFFC000  }
0x3d: {  	[tilespmem:s7], [sflag:$0x1] =	stream.indirect.gather [hbm4b:s18+s9], $0x80, s0, s9, $0xb8;
	[tilespmem:$0x9000] =	vst v63  }
0x3e: {  	_ =	swait.ge [sflag:s6], $0x4000  }
0x3f: {  	[sflag:s6] =	ssyncset.done $0x0  }
0x40: {  	s0 =	rddreg [dreg:$0x7];
	[sflag:s6] =	ssyncadd.s32 $0xFFFFC000  }
0x41: {  	[hbm4b:s0+s2] =	stream.linear.scatter [tilespmem:s5], [sflag:$0x3], $0x4000, $0x38;
	[tilespmem:$0x9000] =	vst v63  }
0x42: {  	_ =	swait.ge [sflag:s3], $0x4000  }
0x43: {  	[sflag:s3] =	ssyncset.done $0x0  }
0x44: {  	s0 =	rddreg [dreg:$0x1f];
	[sflag:s3] =	ssyncadd.s32 $0xFFFFC000  }
0x45: {  	[tilespmem:s5], [sflag:$0x2] =	stream.indirect.gather [hbm4b:s18+s9], $0x80, s0, s9, $0xb8;
	[tilespmem:$0x9000] =	vst v63  }
0x46: {  	_ =	swait.ge [sflag:s8], $0x4000  }
0x47: {  	[sflag:s8] =	ssyncset.done $0x0  }
0x48: {  	s0 =	rddreg [dreg:$0x8];
	[sflag:s8] =	ssyncadd.s32 $0xFFFFC000  }
0x49: {  	[hbm4b:s0+s2] =	stream.linear.scatter [tilespmem:s7], [sflag:$0x3], $0x4000, $0x38;
	[tilespmem:$0x9000] =	vst v63  }
0x4a: {  	_ =	swait.ge [sflag:s3], $0x4000  }
0x4b: {  	[sflag:s3] =	ssyncset.done $0x0  }
0x4c: {  	[sflag:s3] =	ssyncadd.s32 $0xFFFFC000  }
0x4d: {  	[tilespmem:s7], [sflag:$0x1] =	stream.indirect.gather [hbm4b:s18+s9], $0x80, s31, s9, $0xb8;
	[tilespmem:$0x9000] =	vst v63  }
0x4e: {  	_ =	swait.ge [sflag:s6], $0x4000  }
0x4f: {  	[sflag:s6] =	ssyncset.done $0x0  }
0x50: {  	s0 =	rddreg [dreg:$0x9];
	[sflag:s6] =	ssyncadd.s32 $0xFFFFC000  }
0x51: {  	[hbm4b:s0+s2] =	stream.linear.scatter [tilespmem:s5], [sflag:$0x3], $0x4000, $0x38;
	[tilespmem:$0x9000] =	vst v63  }
0x52: {  	_ =	swait.ge [sflag:s3], $0x4000  }
0x53: {  	[sflag:s3] =	ssyncset.done $0x0  }
0x54: {  	[sflag:s3] =	ssyncadd.s32 $0xFFFFC000  }
0x55: {  	[tilespmem:s5], [sflag:$0x2] =	stream.indirect.gather [hbm4b:s18+s9], $0x80, s30, s9, $0xb8;
	[tilespmem:$0x9000] =	vst v63  }
0x56: {  	_ =	swait.ge [sflag:s8], $0x4000  }
0x57: {  	[sflag:s8] =	ssyncset.done $0x0  }
0x58: {  	s0 =	rddreg [dreg:$0xa];
	[sflag:s8] =	ssyncadd.s32 $0xFFFFC000  }
0x59: {  	[hbm4b:s0+s2] =	stream.linear.scatter [tilespmem:s7], [sflag:$0x3], $0x4000, $0x38;
	[tilespmem:$0x9000] =	vst v63  }
0x5a: {  	_ =	swait.ge [sflag:s3], $0x4000  }
0x5b: {  	[sflag:s3] =	ssyncset.done $0x0  }
0x5c: {  	[sflag:s3] =	ssyncadd.s32 $0xFFFFC000  }
0x5d: {  	[tilespmem:s7], [sflag:$0x1] =	stream.indirect.gather [hbm4b:s18+s9], $0x80, s29, s9, $0xb8;
	[tilespmem:$0x9000] =	vst v63  }
0x5e: {  	_ =	swait.ge [sflag:s6], $0x4000  }
0x5f: {  	[sflag:s6] =	ssyncset.done $0x0  }
0x60: {  	s0 =	rddreg [dreg:$0xb];
	[sflag:s6] =	ssyncadd.s32 $0xFFFFC000  }
0x61: {  	[hbm4b:s0+s2] =	stream.linear.scatter [tilespmem:s5], [sflag:$0x3], $0x4000, $0x38;
	[tilespmem:$0x9000] =	vst v63  }
0x62: {  	_ =	swait.ge [sflag:s3], $0x4000  }
0x63: {  	[sflag:s3] =	ssyncset.done $0x0  }
0x64: {  	[sflag:s3] =	ssyncadd.s32 $0xFFFFC000  }
0x65: {  	[tilespmem:s5], [sflag:$0x2] =	stream.indirect.gather [hbm4b:s18+s9], $0x80, s28, s9, $0xb8;
	[tilespmem:$0x9000] =	vst v63  }
0x66: {  	_ =	swait.ge [sflag:s8], $0x4000  }
0x67: {  	[sflag:s8] =	ssyncset.done $0x0  }
0x68: {  	s0 =	rddreg [dreg:$0xc];
	[sflag:s8] =	ssyncadd.s32 $0xFFFFC000  }
0x69: {  	[hbm4b:s0+s2] =	stream.linear.scatter [tilespmem:s7], [sflag:$0x3], $0x4000, $0x38;
	[tilespmem:$0x9000] =	vst v63  }
0x6a: {  	_ =	swait.ge [sflag:s3], $0x4000  }
0x6b: {  	[sflag:s3] =	ssyncset.done $0x0  }
0x6c: {  	[sflag:s3] =	ssyncadd.s32 $0xFFFFC000  }
0x6d: {  	[tilespmem:s7], [sflag:$0x1] =	stream.indirect.gather [hbm4b:s18+s9], $0x80, s26, s9, $0xb8;
	[tilespmem:$0x9000] =	vst v63  }
0x6e: {  	_ =	swait.ge [sflag:s6], $0x4000  }
0x6f: {  	[sflag:s6] =	ssyncset.done $0x0  }
0x70: {  	s0 =	rddreg [dreg:$0xd];
	[sflag:s6] =	ssyncadd.s32 $0xFFFFC000  }
0x71: {  	[hbm4b:s0+s2] =	stream.linear.scatter [tilespmem:s5], [sflag:$0x3], $0x4000, $0x38;
	[tilespmem:$0x9000] =	vst v63  }
0x72: {  	_ =	swait.ge [sflag:s3], $0x4000  }
0x73: {  	[sflag:s3] =	ssyncset.done $0x0  }
0x74: {  	[sflag:s3] =	ssyncadd.s32 $0xFFFFC000  }
0x75: {  	[tilespmem:s5], [sflag:$0x2] =	stream.indirect.gather [hbm4b:s18+s9], $0x80, s25, s9, $0xb8;
	[tilespmem:$0x9000] =	vst v63  }
0x76: {  	_ =	swait.ge [sflag:s8], $0x4000  }
0x77: {  	[sflag:s8] =	ssyncset.done $0x0  }
0x78: {  	s0 =	rddreg [dreg:$0xe];
	[sflag:s8] =	ssyncadd.s32 $0xFFFFC000  }
0x79: {  	[hbm4b:s0+s2] =	stream.linear.scatter [tilespmem:s7], [sflag:$0x3], $0x4000, $0x38;
	[tilespmem:$0x9000] =	vst v63  }
0x7a: {  	_ =	swait.ge [sflag:s3], $0x4000  }
0x7b: {  	[sflag:s3] =	ssyncset.done $0x0  }
0x7c: {  	[sflag:s3] =	ssyncadd.s32 $0xFFFFC000  }
0x7d: {  	[tilespmem:s7], [sflag:$0x1] =	stream.indirect.gather [hbm4b:s18+s9], $0x80, s24, s9, $0xb8;
	[tilespmem:$0x9000] =	vst v63  }
0x7e: {  	_ =	swait.ge [sflag:s6], $0x4000  }
0x7f: {  	[sflag:s6] =	ssyncset.done $0x0  }
0x80: {  	s0 =	rddreg [dreg:$0xf];
	[sflag:s6] =	ssyncadd.s32 $0xFFFFC000  }
0x81: {  	[hbm4b:s0+s2] =	stream.linear.scatter [tilespmem:s5], [sflag:$0x3], $0x4000, $0x38;
	[tilespmem:$0x9000] =	vst v63  }
0x82: {  	_ =	swait.ge [sflag:s3], $0x4000  }
0x83: {  	[sflag:s3] =	ssyncset.done $0x0  }
0x84: {  	[sflag:s3] =	ssyncadd.s32 $0xFFFFC000  }
0x85: {  	[tilespmem:s5], [sflag:$0x2] =	stream.indirect.gather [hbm4b:s18+s9], $0x80, s23, s9, $0xb8;
	[tilespmem:$0x9000] =	vst v63  }
0x86: {  	_ =	swait.ge [sflag:s8], $0x4000  }
0x87: {  	[sflag:s8] =	ssyncset.done $0x0  }
0x88: {  	s0 =	rddreg [dreg:$0x10];
	[sflag:s8] =	ssyncadd.s32 $0xFFFFC000  }
0x89: {  	[hbm4b:s0+s2] =	stream.linear.scatter [tilespmem:s7], [sflag:$0x3], $0x4000, $0x38;
	[tilespmem:$0x9000] =	vst v63  }
0x8a: {  	_ =	swait.ge [sflag:s3], $0x4000  }
0x8b: {  	[sflag:s3] =	ssyncset.done $0x0  }
0x8c: {  	[sflag:s3] =	ssyncadd.s32 $0xFFFFC000  }
0x8d: {  	_ =	swait.ge [sflag:s6], $0x4000  }
0x8e: {  	[sflag:s6] =	ssyncset.done $0x0  }
0x8f: {  	s0 =	rddreg [dreg:$0x11];
	[sflag:s6] =	ssyncadd.s32 $0xFFFFC000  }
0x90: {  	[hbm4b:s0+s2] =	stream.linear.scatter [tilespmem:s5], [sflag:$0x3], $0x4000, $0x38;
	[tilespmem:$0x9000] =	vst v63  }
0x91: {  	_ =	swait.ge [sflag:s3], $0x4000  }
0x92: {  	[sflag:s3] =	ssyncset.done $0x0  }
0x93: {  	[sflag:s3] =	ssyncadd.s32 $0xFFFFC000  }
0x94: {  	[tilespmem:s7], [sflag:$0x1] =	stream.indirect.gather [hbm4b:s4+s9], $0x80, s19, s9, $0xb8;
	[tilespmem:$0x9000] =	vst v63  }
0x95: {  	_ = 	snop  }
0x96: {  	[tilespmem:s5], [sflag:$0x2] =	stream.indirect.gather [hbm4b:s4+s9], $0x80, s22, s9, $0xb8;
	[tilespmem:$0x9000] =	vst v63  }
0x97: {  	_ =	swait.ge [sflag:s8], $0x4000  }
0x98: {  	[sflag:s8] =	ssyncset.done $0x0  }
0x99: {  	s0 =	rddreg [dreg:$0x12];
	[sflag:s8] =	ssyncadd.s32 $0xFFFFC000  }
0x9a: {  	[hbm4b:s0+s2] =	stream.linear.scatter [tilespmem:s7], [sflag:$0x3], $0x4000, $0x38;
	[tilespmem:$0x9000] =	vst v63  }
0x9b: {  	_ =	swait.ge [sflag:s3], $0x4000  }
0x9c: {  	[sflag:s3] =	ssyncset.done $0x0  }
0x9d: {  	[sflag:s3] =	ssyncadd.s32 $0xFFFFC000  }
0x9e: {  	[tilespmem:s7], [sflag:$0x1] =	stream.indirect.gather [hbm4b:s4+s9], $0x80, s21, s9, $0xb8;
	[tilespmem:$0x9000] =	vst v63  }
0x9f: {  	_ =	swait.ge [sflag:s6], $0x4000  }
0xa0: {  	[sflag:s6] =	ssyncset.done $0x0  }
0xa1: {  	s0 =	rddreg [dreg:$0x13];
	[sflag:s6] =	ssyncadd.s32 $0xFFFFC000  }
0xa2: {  	[hbm4b:s0+s2] =	stream.linear.scatter [tilespmem:s5], [sflag:$0x3], $0x4000, $0x38;
	[tilespmem:$0x9000] =	vst v63  }
0xa3: {  	_ =	swait.ge [sflag:s3], $0x4000  }
0xa4: {  	[sflag:s3] =	ssyncset.done $0x0  }
0xa5: {  	[sflag:s3] =	ssyncadd.s32 $0xFFFFC000  }
0xa6: {  	[tilespmem:s5], [sflag:$0x2] =	stream.indirect.gather [hbm4b:s4+s9], $0x80, s20, s9, $0xb8;
	[tilespmem:$0x9000] =	vst v63  }
0xa7: {  	_ =	swait.ge [sflag:s8], $0x4000  }
0xa8: {  	[sflag:s8] =	ssyncset.done $0x0  }
0xa9: {  	s0 =	rddreg [dreg:$0x14];
	[sflag:s8] =	ssyncadd.s32 $0xFFFFC000  }
0xaa: {  	[hbm4b:s0+s2] =	stream.linear.scatter [tilespmem:s7], [sflag:$0x3], $0x4000, $0x38;
	[tilespmem:$0x9000] =	vst v63  }
0xab: {  	_ =	swait.ge [sflag:s3], $0x4000  }
0xac: {  	[sflag:s3] =	ssyncset.done $0x0  }
0xad: {  	[sflag:s3] =	ssyncadd.s32 $0xFFFFC000  }
0xae: {  	[tilespmem:s7], [sflag:$0x1] =	stream.indirect.gather [hbm4b:s4+s9], $0x80, s17, s9, $0xb8;
	[tilespmem:$0x9000] =	vst v63  }
0xaf: {  	_ =	swait.ge [sflag:s6], $0x4000  }
0xb0: {  	[sflag:s6] =	ssyncset.done $0x0  }
0xb1: {  	s0 =	rddreg [dreg:$0x15];
	[sflag:s6] =	ssyncadd.s32 $0xFFFFC000  }
0xb2: {  	[hbm4b:s0+s2] =	stream.linear.scatter [tilespmem:s5], [sflag:$0x3], $0x4000, $0x38;
	[tilespmem:$0x9000] =	vst v63  }
0xb3: {  	_ =	swait.ge [sflag:s3], $0x4000  }
0xb4: {  	[sflag:s3] =	ssyncset.done $0x0  }
0xb5: {  	[sflag:s3] =	ssyncadd.s32 $0xFFFFC000  }
0xb6: {  	[tilespmem:s5], [sflag:$0x2] =	stream.indirect.gather [hbm4b:s4+s9], $0x80, s16, s9, $0xb8;
	[tilespmem:$0x9000] =	vst v63  }
0xb7: {  	_ =	swait.ge [sflag:s8], $0x4000  }
0xb8: {  	[sflag:s8] =	ssyncset.done $0x0  }
0xb9: {  	s0 =	rddreg [dreg:$0x16];
	[sflag:s8] =	ssyncadd.s32 $0xFFFFC000  }
0xba: {  	[hbm4b:s0+s2] =	stream.linear.scatter [tilespmem:s7], [sflag:$0x3], $0x4000, $0x38;
	[tilespmem:$0x9000] =	vst v63  }
0xbb: {  	_ =	swait.ge [sflag:s3], $0x4000  }
0xbc: {  	[sflag:s3] =	ssyncset.done $0x0  }
0xbd: {  	[sflag:s3] =	ssyncadd.s32 $0xFFFFC000  }
0xbe: {  	[tilespmem:s7], [sflag:$0x1] =	stream.indirect.gather [hbm4b:s4+s9], $0x80, s15, s9, $0xb8;
	[tilespmem:$0x9000] =	vst v63  }
0xbf: {  	_ =	swait.ge [sflag:s6], $0x4000  }
0xc0: {  	[sflag:s6] =	ssyncset.done $0x0  }
0xc1: {  	s0 =	rddreg [dreg:$0x17];
	[sflag:s6] =	ssyncadd.s32 $0xFFFFC000  }
0xc2: {  	[hbm4b:s0+s2] =	stream.linear.scatter [tilespmem:s5], [sflag:$0x3], $0x4000, $0x38;
	[tilespmem:$0x9000] =	vst v63  }
0xc3: {  	_ =	swait.ge [sflag:s3], $0x4000  }
0xc4: {  	[sflag:s3] =	ssyncset.done $0x0  }
0xc5: {  	[sflag:s3] =	ssyncadd.s32 $0xFFFFC000  }
0xc6: {  	[tilespmem:s5], [sflag:$0x2] =	stream.indirect.gather [hbm4b:s4+s9], $0x80, s14, s9, $0xb8;
	[tilespmem:$0x9000] =	vst v63  }
0xc7: {  	_ =	swait.ge [sflag:s8], $0x4000  }
0xc8: {  	[sflag:s8] =	ssyncset.done $0x0  }
0xc9: {  	s0 =	rddreg [dreg:$0x18];
	[sflag:s8] =	ssyncadd.s32 $0xFFFFC000  }
0xca: {  	[hbm4b:s0+s2] =	stream.linear.scatter [tilespmem:s7], [sflag:$0x3], $0x4000, $0x38;
	[tilespmem:$0x9000] =	vst v63  }
0xcb: {  	_ =	swait.ge [sflag:s3], $0x4000  }
0xcc: {  	[sflag:s3] =	ssyncset.done $0x0  }
0xcd: {  	[sflag:s3] =	ssyncadd.s32 $0xFFFFC000  }
0xce: {  	[tilespmem:s7], [sflag:$0x1] =	stream.indirect.gather [hbm4b:s4+s9], $0x80, s13, s9, $0xb8;
	[tilespmem:$0x9000] =	vst v63  }
0xcf: {  	_ =	swait.ge [sflag:s6], $0x4000  }
0xd0: {  	[sflag:s6] =	ssyncset.done $0x0  }
0xd1: {  	s0 =	rddreg [dreg:$0x19];
	[sflag:s6] =	ssyncadd.s32 $0xFFFFC000  }
0xd2: {  	[hbm4b:s0+s2] =	stream.linear.scatter [tilespmem:s5], [sflag:$0x3], $0x4000, $0x38;
	[tilespmem:$0x9000] =	vst v63  }
0xd3: {  	_ =	swait.ge [sflag:s3], $0x4000  }
0xd4: {  	[sflag:s3] =	ssyncset.done $0x0  }
0xd5: {  	[sflag:s3] =	ssyncadd.s32 $0xFFFFC000  }
0xd6: {  	[tilespmem:s5], [sflag:$0x2] =	stream.indirect.gather [hbm4b:s4+s9], $0x80, s12, s9, $0xb8;
	[tilespmem:$0x9000] =	vst v63  }
0xd7: {  	_ =	swait.ge [sflag:s8], $0x4000  }
0xd8: {  	[sflag:s8] =	ssyncset.done $0x0  }
0xd9: {  	s0 =	rddreg [dreg:$0x1a];
	[sflag:s8] =	ssyncadd.s32 $0xFFFFC000  }
0xda: {  	[hbm4b:s0+s2] =	stream.linear.scatter [tilespmem:s7], [sflag:$0x3], $0x4000, $0x38;
	[tilespmem:$0x9000] =	vst v63  }
0xdb: {  	_ =	swait.ge [sflag:s3], $0x4000  }
0xdc: {  	[sflag:s3] =	ssyncset.done $0x0  }
0xdd: {  	[sflag:s3] =	ssyncadd.s32 $0xFFFFC000  }
0xde: {  	[tilespmem:s7], [sflag:$0x1] =	stream.indirect.gather [hbm4b:s4+s9], $0x80, s11, s9, $0xb8;
	[tilespmem:$0x9000] =	vst v63  }
0xdf: {  	_ =	swait.ge [sflag:s6], $0x4000  }
0xe0: {  	[sflag:s6] =	ssyncset.done $0x0  }
0xe1: {  	s0 =	rddreg [dreg:$0x1b];
	[sflag:s6] =	ssyncadd.s32 $0xFFFFC000  }
0xe2: {  	[hbm4b:s0+s2] =	stream.linear.scatter [tilespmem:s5], [sflag:$0x3], $0x4000, $0x38;
	[tilespmem:$0x9000] =	vst v63  }
0xe3: {  	_ =	swait.ge [sflag:s3], $0x4000  }
0xe4: {  	[sflag:s3] =	ssyncset.done $0x0  }
0xe5: {  	[sflag:s3] =	ssyncadd.s32 $0xFFFFC000  }
0xe6: {  	[tilespmem:s5], [sflag:$0x2] =	stream.indirect.gather [hbm4b:s4+s9], $0x80, s10, s9, $0xb8;
	[tilespmem:$0x9000] =	vst v63  }
0xe7: {  	_ =	swait.ge [sflag:s8], $0x4000  }
0xe8: {  	[sflag:s8] =	ssyncset.done $0x0  }
0xe9: {  	s0 =	rddreg [dreg:$0x1c];
	[sflag:s8] =	ssyncadd.s32 $0xFFFFC000  }
0xea: {  	[hbm4b:s0+s2] =	stream.linear.scatter [tilespmem:s7], [sflag:$0x3], $0x4000, $0x38;
	[tilespmem:$0x9000] =	vst v63  }
0xeb: {  	_ =	swait.ge [sflag:s3], $0x4000  }
0xec: {  	[sflag:s3] =	ssyncset.done $0x0  }
0xed: {  	[sflag:s3] =	ssyncadd.s32 $0xFFFFC000  }
0xee: {  	p1 =	sne.s32 s1, $0x1;
	_ =	swait.ge [sflag:s6], $0x4000  }
.Ltmp1:
0xef: {  	[sflag:s6] =	ssyncset.done $0x0;
	(pc) =	sbr.rel @!p1 .LBB2_3-.Ltmp1, $4  }
0xf0: {  	s0 =	rddreg [dreg:$0x1d];
	[sflag:s6] =	ssyncadd.s32 $0xFFFFC000  }
0xf1: {  	[hbm4b:s0+s2] =	stream.linear.scatter [tilespmem:s5], [sflag:$0x3], $0x4000, $0x38;
	[tilespmem:$0x9000] =	vst v63  }
0xf2: {  	s1 =	sadd.s32 $0xFFFFFFFF, s1;
	_ =	swait.ge [sflag:s3], $0x4000  }
0xf3: {  	p0 =	por $0x1, $0x1;
	s0 =	rddreg [dreg:$0x4];
	[sflag:s3] =	ssyncset.done $0x0  }
.LBB2_2:
0xf4: {  	[sflag:s3] =	ssyncadd.s32 $0xFFFFC000  }
0xf5: {  	[tilespmem:s2], [sflag:$0x3] =	stream.linear.gather [hbm4b:s0+s2], $0x800, $0x38;
	[tilespmem:$0x9000] =	vst v63  }
0xf6: {  	_ =	swait.ge [sflag:s3], $0x800  }
0xf7: {  	[sflag:s3] =	ssyncset.done $0x0  }
0xf8: {  	s0 =	rddreg [dreg:$0x5];
	[sflag:s3] =	ssyncadd.s32 $0xFFFFF800  }
0xf9: {  	[tilespmem:s19], [sflag:$0x3] =	stream.linear.gather [hbm4b:s0+s2], $0x800, $0x38;
	[tilespmem:$0x9000] =	vst v63  }
0xfa: {  	_ =	swait.ge [sflag:s3], $0x800  }
0xfb: {  	[sflag:s3] =	ssyncset.done $0x0  }
0xfc: {  	[sflag:s3] =	ssyncadd.s32 $0xFFFFF800  }
0xfd: {  	[tilespmem:s7], [sflag:$0x1] =	stream.indirect.gather [hbm4b:s18+s9], $0x80, s2, s9, $0xb8;
	[tilespmem:$0x9000] =	vst v63  }
0xfe: {  	_ = 	snop  }
0xff: {  	[tilespmem:s5], [sflag:$0x2] =	stream.indirect.gather [hbm4b:s18+s9], $0x80, s9, s9, $0xb8;
	[tilespmem:$0x9000] =	vst v63  }
0x100: {  	_ =	swait.ge [sflag:s8], $0x4000  }
0x101: {  	[sflag:s8] =	ssyncset.done $0x0  }
0x102: {  	s0 =	rddreg [dreg:$0x6];
	[sflag:s8] =	ssyncadd.s32 $0xFFFFC000  }
0x103: {  	[hbm4b:s0+s2] =	stream.linear.scatter [tilespmem:s7], [sflag:$0x3], $0x4000, $0x38;
	[tilespmem:$0x9000] =	vst v63  }
0x104: {  	_ =	swait.ge [sflag:s3], $0x4000  }
0x105: {  	[sflag:s3] =	ssyncset.done $0x0  }
0x106: {  	s0 =	rddreg [dreg:$0x1e];
	[sflag:s3] =	ssyncadd.s32 $0xFFFFC000  }
0x107: {  	[tilespmem:s7], [sflag:$0x1] =	stream.indirect.gather [hbm4b:s18+s9], $0x80, s0, s9, $0xb8;
	[tilespmem:$0x9000] =	vst v63  }
0x108: {  	_ =	swait.ge [sflag:s6], $0x4000  }
0x109: {  	[sflag:s6] =	ssyncset.done $0x0  }
0x10a: {  	s0 =	rddreg [dreg:$0x7];
	[sflag:s6] =	ssyncadd.s32 $0xFFFFC000  }
0x10b: {  	[hbm4b:s0+s2] =	stream.linear.scatter [tilespmem:s5], [sflag:$0x3], $0x4000, $0x38;
	[tilespmem:$0x9000] =	vst v63  }
0x10c: {  	_ =	swait.ge [sflag:s3], $0x4000  }
0x10d: {  	[sflag:s3] =	ssyncset.done $0x0  }
0x10e: {  	s0 =	rddreg [dreg:$0x1f];
	[sflag:s3] =	ssyncadd.s32 $0xFFFFC000  }
0x10f: {  	[tilespmem:s5], [sflag:$0x2] =	stream.indirect.gather [hbm4b:s18+s9], $0x80, s0, s9, $0xb8;
	[tilespmem:$0x9000] =	vst v63  }
0x110: {  	_ =	swait.ge [sflag:s8], $0x4000  }
0x111: {  	[sflag:s8] =	ssyncset.done $0x0  }
0x112: {  	s0 =	rddreg [dreg:$0x8];
	[sflag:s8] =	ssyncadd.s32 $0xFFFFC000  }
0x113: {  	[hbm4b:s0+s2] =	stream.linear.scatter [tilespmem:s7], [sflag:$0x3], $0x4000, $0x38;
	[tilespmem:$0x9000] =	vst v63  }
0x114: {  	_ =	swait.ge [sflag:s3], $0x4000  }
0x115: {  	[sflag:s3] =	ssyncset.done $0x0  }
0x116: {  	[sflag:s3] =	ssyncadd.s32 $0xFFFFC000  }
0x117: {  	[tilespmem:s7], [sflag:$0x1] =	stream.indirect.gather [hbm4b:s18+s9], $0x80, s31, s9, $0xb8;
	[tilespmem:$0x9000] =	vst v63  }
0x118: {  	_ =	swait.ge [sflag:s6], $0x4000  }
0x119: {  	[sflag:s6] =	ssyncset.done $0x0  }
0x11a: {  	s0 =	rddreg [dreg:$0x9];
	[sflag:s6] =	ssyncadd.s32 $0xFFFFC000  }
0x11b: {  	[hbm4b:s0+s2] =	stream.linear.scatter [tilespmem:s5], [sflag:$0x3], $0x4000, $0x38;
	[tilespmem:$0x9000] =	vst v63  }
0x11c: {  	_ =	swait.ge [sflag:s3], $0x4000  }
0x11d: {  	[sflag:s3] =	ssyncset.done $0x0  }
0x11e: {  	[sflag:s3] =	ssyncadd.s32 $0xFFFFC000  }
0x11f: {  	[tilespmem:s5], [sflag:$0x2] =	stream.indirect.gather [hbm4b:s18+s9], $0x80, s30, s9, $0xb8;
	[tilespmem:$0x9000] =	vst v63  }
0x120: {  	_ =	swait.ge [sflag:s8], $0x4000  }
0x121: {  	[sflag:s8] =	ssyncset.done $0x0  }
0x122: {  	s0 =	rddreg [dreg:$0xa];
	[sflag:s8] =	ssyncadd.s32 $0xFFFFC000  }
0x123: {  	[hbm4b:s0+s2] =	stream.linear.scatter [tilespmem:s7], [sflag:$0x3], $0x4000, $0x38;
	[tilespmem:$0x9000] =	vst v63  }
0x124: {  	_ =	swait.ge [sflag:s3], $0x4000  }
0x125: {  	[sflag:s3] =	ssyncset.done $0x0  }
0x126: {  	[sflag:s3] =	ssyncadd.s32 $0xFFFFC000  }
0x127: {  	[tilespmem:s7], [sflag:$0x1] =	stream.indirect.gather [hbm4b:s18+s9], $0x80, s29, s9, $0xb8;
	[tilespmem:$0x9000] =	vst v63  }
0x128: {  	_ =	swait.ge [sflag:s6], $0x4000  }
0x129: {  	[sflag:s6] =	ssyncset.done $0x0  }
0x12a: {  	s0 =	rddreg [dreg:$0xb];
	[sflag:s6] =	ssyncadd.s32 $0xFFFFC000  }
0x12b: {  	[hbm4b:s0+s2] =	stream.linear.scatter [tilespmem:s5], [sflag:$0x3], $0x4000, $0x38;
	[tilespmem:$0x9000] =	vst v63  }
0x12c: {  	_ =	swait.ge [sflag:s3], $0x4000  }
0x12d: {  	[sflag:s3] =	ssyncset.done $0x0  }
0x12e: {  	[sflag:s3] =	ssyncadd.s32 $0xFFFFC000  }
0x12f: {  	[tilespmem:s5], [sflag:$0x2] =	stream.indirect.gather [hbm4b:s18+s9], $0x80, s28, s9, $0xb8;
	[tilespmem:$0x9000] =	vst v63  }
0x130: {  	_ =	swait.ge [sflag:s8], $0x4000  }
0x131: {  	[sflag:s8] =	ssyncset.done $0x0  }
0x132: {  	s0 =	rddreg [dreg:$0xc];
	[sflag:s8] =	ssyncadd.s32 $0xFFFFC000  }
0x133: {  	[hbm4b:s0+s2] =	stream.linear.scatter [tilespmem:s7], [sflag:$0x3], $0x4000, $0x38;
	[tilespmem:$0x9000] =	vst v63  }
0x134: {  	_ =	swait.ge [sflag:s3], $0x4000  }
0x135: {  	[sflag:s3] =	ssyncset.done $0x0  }
0x136: {  	[sflag:s3] =	ssyncadd.s32 $0xFFFFC000  }
0x137: {  	[tilespmem:s7], [sflag:$0x1] =	stream.indirect.gather [hbm4b:s18+s9], $0x80, s26, s9, $0xb8;
	[tilespmem:$0x9000] =	vst v63  }
0x138: {  	_ =	swait.ge [sflag:s6], $0x4000  }
0x139: {  	[sflag:s6] =	ssyncset.done $0x0  }
0x13a: {  	s0 =	rddreg [dreg:$0xd];
	[sflag:s6] =	ssyncadd.s32 $0xFFFFC000  }
0x13b: {  	[hbm4b:s0+s2] =	stream.linear.scatter [tilespmem:s5], [sflag:$0x3], $0x4000, $0x38;
	[tilespmem:$0x9000] =	vst v63  }
0x13c: {  	_ =	swait.ge [sflag:s3], $0x4000  }
0x13d: {  	[sflag:s3] =	ssyncset.done $0x0  }
0x13e: {  	[sflag:s3] =	ssyncadd.s32 $0xFFFFC000  }
0x13f: {  	[tilespmem:s5], [sflag:$0x2] =	stream.indirect.gather [hbm4b:s18+s9], $0x80, s25, s9, $0xb8;
	[tilespmem:$0x9000] =	vst v63  }
0x140: {  	_ =	swait.ge [sflag:s8], $0x4000  }
0x141: {  	[sflag:s8] =	ssyncset.done $0x0  }
0x142: {  	s0 =	rddreg [dreg:$0xe];
	[sflag:s8] =	ssyncadd.s32 $0xFFFFC000  }
0x143: {  	[hbm4b:s0+s2] =	stream.linear.scatter [tilespmem:s7], [sflag:$0x3], $0x4000, $0x38;
	[tilespmem:$0x9000] =	vst v63  }
0x144: {  	_ =	swait.ge [sflag:s3], $0x4000  }
0x145: {  	[sflag:s3] =	ssyncset.done $0x0  }
0x146: {  	[sflag:s3] =	ssyncadd.s32 $0xFFFFC000  }
0x147: {  	[tilespmem:s7], [sflag:$0x1] =	stream.indirect.gather [hbm4b:s18+s9], $0x80, s24, s9, $0xb8;
	[tilespmem:$0x9000] =	vst v63  }
0x148: {  	_ =	swait.ge [sflag:s6], $0x4000  }
0x149: {  	[sflag:s6] =	ssyncset.done $0x0  }
0x14a: {  	s0 =	rddreg [dreg:$0xf];
	[sflag:s6] =	ssyncadd.s32 $0xFFFFC000  }
0x14b: {  	[hbm4b:s0+s2] =	stream.linear.scatter [tilespmem:s5], [sflag:$0x3], $0x4000, $0x38;
	[tilespmem:$0x9000] =	vst v63  }
0x14c: {  	_ =	swait.ge [sflag:s3], $0x4000  }
0x14d: {  	[sflag:s3] =	ssyncset.done $0x0  }
0x14e: {  	[sflag:s3] =	ssyncadd.s32 $0xFFFFC000  }
0x14f: {  	[tilespmem:s5], [sflag:$0x2] =	stream.indirect.gather [hbm4b:s18+s9], $0x80, s23, s9, $0xb8;
	[tilespmem:$0x9000] =	vst v63  }
0x150: {  	_ =	swait.ge [sflag:s8], $0x4000  }
0x151: {  	[sflag:s8] =	ssyncset.done $0x0  }
0x152: {  	s0 =	rddreg [dreg:$0x10];
	[sflag:s8] =	ssyncadd.s32 $0xFFFFC000  }
0x153: {  	[hbm4b:s0+s2] =	stream.linear.scatter [tilespmem:s7], [sflag:$0x3], $0x4000, $0x38;
	[tilespmem:$0x9000] =	vst v63  }
0x154: {  	_ =	swait.ge [sflag:s3], $0x4000  }
0x155: {  	[sflag:s3] =	ssyncset.done $0x0  }
0x156: {  	[sflag:s3] =	ssyncadd.s32 $0xFFFFC000  }
0x157: {  	_ =	swait.ge [sflag:s6], $0x4000  }
0x158: {  	[sflag:s6] =	ssyncset.done $0x0  }
0x159: {  	s0 =	rddreg [dreg:$0x11];
	[sflag:s6] =	ssyncadd.s32 $0xFFFFC000  }
0x15a: {  	[hbm4b:s0+s2] =	stream.linear.scatter [tilespmem:s5], [sflag:$0x3], $0x4000, $0x38;
	[tilespmem:$0x9000] =	vst v63  }
0x15b: {  	_ =	swait.ge [sflag:s3], $0x4000  }
0x15c: {  	[sflag:s3] =	ssyncset.done $0x0  }
0x15d: {  	[sflag:s3] =	ssyncadd.s32 $0xFFFFC000  }
0x15e: {  	[tilespmem:s7], [sflag:$0x1] =	stream.indirect.gather [hbm4b:s4+s9], $0x80, s19, s9, $0xb8;
	[tilespmem:$0x9000] =	vst v63  }
0x15f: {  	_ = 	snop  }
0x160: {  	[tilespmem:s5], [sflag:$0x2] =	stream.indirect.gather [hbm4b:s4+s9], $0x80, s22, s9, $0xb8;
	[tilespmem:$0x9000] =	vst v63  }
0x161: {  	_ =	swait.ge [sflag:s8], $0x4000  }
0x162: {  	[sflag:s8] =	ssyncset.done $0x0  }
0x163: {  	s0 =	rddreg [dreg:$0x12];
	[sflag:s8] =	ssyncadd.s32 $0xFFFFC000  }
0x164: {  	[hbm4b:s0+s2] =	stream.linear.scatter [tilespmem:s7], [sflag:$0x3], $0x4000, $0x38;
	[tilespmem:$0x9000] =	vst v63  }
0x165: {  	_ =	swait.ge [sflag:s3], $0x4000  }
0x166: {  	[sflag:s3] =	ssyncset.done $0x0  }
0x167: {  	[sflag:s3] =	ssyncadd.s32 $0xFFFFC000  }
0x168: {  	[tilespmem:s7], [sflag:$0x1] =	stream.indirect.gather [hbm4b:s4+s9], $0x80, s21, s9, $0xb8;
	[tilespmem:$0x9000] =	vst v63  }
0x169: {  	_ =	swait.ge [sflag:s6], $0x4000  }
0x16a: {  	[sflag:s6] =	ssyncset.done $0x0  }
0x16b: {  	s0 =	rddreg [dreg:$0x13];
	[sflag:s6] =	ssyncadd.s32 $0xFFFFC000  }
0x16c: {  	[hbm4b:s0+s2] =	stream.linear.scatter [tilespmem:s5], [sflag:$0x3], $0x4000, $0x38;
	[tilespmem:$0x9000] =	vst v63  }
0x16d: {  	_ =	swait.ge [sflag:s3], $0x4000  }
0x16e: {  	[sflag:s3] =	ssyncset.done $0x0  }
0x16f: {  	[sflag:s3] =	ssyncadd.s32 $0xFFFFC000  }
0x170: {  	[tilespmem:s5], [sflag:$0x2] =	stream.indirect.gather [hbm4b:s4+s9], $0x80, s20, s9, $0xb8;
	[tilespmem:$0x9000] =	vst v63  }
0x171: {  	_ =	swait.ge [sflag:s8], $0x4000  }
0x172: {  	[sflag:s8] =	ssyncset.done $0x0  }
0x173: {  	s0 =	rddreg [dreg:$0x14];
	[sflag:s8] =	ssyncadd.s32 $0xFFFFC000  }
0x174: {  	[hbm4b:s0+s2] =	stream.linear.scatter [tilespmem:s7], [sflag:$0x3], $0x4000, $0x38;
	[tilespmem:$0x9000] =	vst v63  }
0x175: {  	_ =	swait.ge [sflag:s3], $0x4000  }
0x176: {  	[sflag:s3] =	ssyncset.done $0x0  }
0x177: {  	[sflag:s3] =	ssyncadd.s32 $0xFFFFC000  }
0x178: {  	[tilespmem:s7], [sflag:$0x1] =	stream.indirect.gather [hbm4b:s4+s9], $0x80, s17, s9, $0xb8;
	[tilespmem:$0x9000] =	vst v63  }
0x179: {  	_ =	swait.ge [sflag:s6], $0x4000  }
0x17a: {  	[sflag:s6] =	ssyncset.done $0x0  }
0x17b: {  	s0 =	rddreg [dreg:$0x15];
	[sflag:s6] =	ssyncadd.s32 $0xFFFFC000  }
0x17c: {  	[hbm4b:s0+s2] =	stream.linear.scatter [tilespmem:s5], [sflag:$0x3], $0x4000, $0x38;
	[tilespmem:$0x9000] =	vst v63  }
0x17d: {  	_ =	swait.ge [sflag:s3], $0x4000  }
0x17e: {  	[sflag:s3] =	ssyncset.done $0x0  }
0x17f: {  	[sflag:s3] =	ssyncadd.s32 $0xFFFFC000  }
0x180: {  	[tilespmem:s5], [sflag:$0x2] =	stream.indirect.gather [hbm4b:s4+s9], $0x80, s16, s9, $0xb8;
	[tilespmem:$0x9000] =	vst v63  }
0x181: {  	_ =	swait.ge [sflag:s8], $0x4000  }
0x182: {  	[sflag:s8] =	ssyncset.done $0x0  }
0x183: {  	s0 =	rddreg [dreg:$0x16];
	[sflag:s8] =	ssyncadd.s32 $0xFFFFC000  }
0x184: {  	[hbm4b:s0+s2] =	stream.linear.scatter [tilespmem:s7], [sflag:$0x3], $0x4000, $0x38;
	[tilespmem:$0x9000] =	vst v63  }
0x185: {  	_ =	swait.ge [sflag:s3], $0x4000  }
0x186: {  	[sflag:s3] =	ssyncset.done $0x0  }
0x187: {  	[sflag:s3] =	ssyncadd.s32 $0xFFFFC000  }
0x188: {  	[tilespmem:s7], [sflag:$0x1] =	stream.indirect.gather [hbm4b:s4+s9], $0x80, s15, s9, $0xb8;
	[tilespmem:$0x9000] =	vst v63  }
0x189: {  	_ =	swait.ge [sflag:s6], $0x4000  }
0x18a: {  	[sflag:s6] =	ssyncset.done $0x0  }
0x18b: {  	s0 =	rddreg [dreg:$0x17];
	[sflag:s6] =	ssyncadd.s32 $0xFFFFC000  }
0x18c: {  	[hbm4b:s0+s2] =	stream.linear.scatter [tilespmem:s5], [sflag:$0x3], $0x4000, $0x38;
	[tilespmem:$0x9000] =	vst v63  }
0x18d: {  	_ =	swait.ge [sflag:s3], $0x4000  }
0x18e: {  	[sflag:s3] =	ssyncset.done $0x0  }
0x18f: {  	[sflag:s3] =	ssyncadd.s32 $0xFFFFC000  }
0x190: {  	[tilespmem:s5], [sflag:$0x2] =	stream.indirect.gather [hbm4b:s4+s9], $0x80, s14, s9, $0xb8;
	[tilespmem:$0x9000] =	vst v63  }
0x191: {  	_ =	swait.ge [sflag:s8], $0x4000  }
0x192: {  	[sflag:s8] =	ssyncset.done $0x0  }
0x193: {  	s0 =	rddreg [dreg:$0x18];
	[sflag:s8] =	ssyncadd.s32 $0xFFFFC000  }
0x194: {  	[hbm4b:s0+s2] =	stream.linear.scatter [tilespmem:s7], [sflag:$0x3], $0x4000, $0x38;
	[tilespmem:$0x9000] =	vst v63  }
0x195: {  	_ =	swait.ge [sflag:s3], $0x4000  }
0x196: {  	[sflag:s3] =	ssyncset.done $0x0  }
0x197: {  	[sflag:s3] =	ssyncadd.s32 $0xFFFFC000  }
0x198: {  	[tilespmem:s7], [sflag:$0x1] =	stream.indirect.gather [hbm4b:s4+s9], $0x80, s13, s9, $0xb8;
	[tilespmem:$0x9000] =	vst v63  }
0x199: {  	_ =	swait.ge [sflag:s6], $0x4000  }
0x19a: {  	[sflag:s6] =	ssyncset.done $0x0  }
0x19b: {  	s0 =	rddreg [dreg:$0x19];
	[sflag:s6] =	ssyncadd.s32 $0xFFFFC000  }
0x19c: {  	[hbm4b:s0+s2] =	stream.linear.scatter [tilespmem:s5], [sflag:$0x3], $0x4000, $0x38;
	[tilespmem:$0x9000] =	vst v63  }
0x19d: {  	_ =	swait.ge [sflag:s3], $0x4000  }
0x19e: {  	[sflag:s3] =	ssyncset.done $0x0  }
0x19f: {  	[sflag:s3] =	ssyncadd.s32 $0xFFFFC000  }
0x1a0: {  	[tilespmem:s5], [sflag:$0x2] =	stream.indirect.gather [hbm4b:s4+s9], $0x80, s12, s9, $0xb8;
	[tilespmem:$0x9000] =	vst v63  }
0x1a1: {  	_ =	swait.ge [sflag:s8], $0x4000  }
0x1a2: {  	[sflag:s8] =	ssyncset.done $0x0  }
0x1a3: {  	s0 =	rddreg [dreg:$0x1a];
	[sflag:s8] =	ssyncadd.s32 $0xFFFFC000  }
0x1a4: {  	[hbm4b:s0+s2] =	stream.linear.scatter [tilespmem:s7], [sflag:$0x3], $0x4000, $0x38;
	[tilespmem:$0x9000] =	vst v63  }
0x1a5: {  	_ =	swait.ge [sflag:s3], $0x4000  }
0x1a6: {  	[sflag:s3] =	ssyncset.done $0x0  }
0x1a7: {  	[sflag:s3] =	ssyncadd.s32 $0xFFFFC000  }
0x1a8: {  	[tilespmem:s7], [sflag:$0x1] =	stream.indirect.gather [hbm4b:s4+s9], $0x80, s11, s9, $0xb8;
	[tilespmem:$0x9000] =	vst v63  }
0x1a9: {  	_ =	swait.ge [sflag:s6], $0x4000  }
0x1aa: {  	[sflag:s6] =	ssyncset.done $0x0  }
0x1ab: {  	s0 =	rddreg [dreg:$0x1b];
	[sflag:s6] =	ssyncadd.s32 $0xFFFFC000  }
0x1ac: {  	[hbm4b:s0+s2] =	stream.linear.scatter [tilespmem:s5], [sflag:$0x3], $0x4000, $0x38;
	[tilespmem:$0x9000] =	vst v63  }
0x1ad: {  	_ =	swait.ge [sflag:s3], $0x4000  }
0x1ae: {  	[sflag:s3] =	ssyncset.done $0x0  }
0x1af: {  	[sflag:s3] =	ssyncadd.s32 $0xFFFFC000  }
0x1b0: {  	[tilespmem:s5], [sflag:$0x2] =	stream.indirect.gather [hbm4b:s4+s9], $0x80, s10, s9, $0xb8;
	[tilespmem:$0x9000] =	vst v63  }
0x1b1: {  	_ =	swait.ge [sflag:s8], $0x4000  }
0x1b2: {  	[sflag:s8] =	ssyncset.done $0x0  }
0x1b3: {  	s0 =	rddreg [dreg:$0x1c];
	[sflag:s8] =	ssyncadd.s32 $0xFFFFC000  }
0x1b4: {  	[hbm4b:s0+s2] =	stream.linear.scatter [tilespmem:s7], [sflag:$0x3], $0x4000, $0x38;
	[tilespmem:$0x9000] =	vst v63  }
0x1b5: {  	_ =	swait.ge [sflag:s3], $0x4000  }
0x1b6: {  	[sflag:s3] =	ssyncset.done $0x0  }
0x1b7: {  	[sflag:s3] =	ssyncadd.s32 $0xFFFFC000  }
0x1b8: {  	p1 =	sne.s32 s1, $0x1;
	_ =	swait.ge [sflag:s6], $0x4000  }
.Ltmp2:
0x1b9: {  	[sflag:s6] =	ssyncset.done $0x0;
	(pc) =	sbr.rel @p1 .LBB2_2-.Ltmp2, $4  }
0x1ba: {  	s0 =	rddreg [dreg:$0x1d];
	[sflag:s6] =	ssyncadd.s32 $0xFFFFC000  }
0x1bb: {  	[hbm4b:s0+s2] =	stream.linear.scatter [tilespmem:s5], [sflag:$0x3], $0x4000, $0x38;
	[tilespmem:$0x9000] =	vst v63  }
0x1bc: {  	_ =	swait.ge [sflag:s3], $0x4000  }
0x1bd: {  	s1 =	sadd.s32 $0xFFFFFFFF, s1;
	s0 =	rddreg [dreg:$0x4];
	[sflag:s3] =	ssyncset.done $0x0  }
.LBB2_3:
0x1be: {  	[sflag:s3] =	ssyncadd.s32 @p0 $0xFFFFC000  }
0x1bf: {  	[tilespmem:s2], [sflag:$0x3] =	stream.linear.gather [hbm4b:s0+s2], $0x800, $0x38;
	[tilespmem:$0x9000] =	vst v63  }
0x1c0: {  	_ =	swait.ge [sflag:s3], $0x800  }
0x1c1: {  	[sflag:s3] =	ssyncset.done $0x0  }
0x1c2: {  	s1 =	rddreg [dreg:$0x5];
	[sflag:s3] =	ssyncadd.s32 $0xFFFFF800  }
0x1c3: {  	[tilespmem:s19], [sflag:$0x3] =	stream.linear.gather [hbm4b:s1+s2], $0x800, $0x38;
	[tilespmem:$0x9000] =	vst v63  }
0x1c4: {  	_ =	swait.ge [sflag:s3], $0x800  }
0x1c5: {  	[sflag:s3] =	ssyncset.done $0x0  }
0x1c6: {  	[sflag:s3] =	ssyncadd.s32 $0xFFFFF800  }
0x1c7: {  	[tilespmem:s7], [sflag:$0x1] =	stream.indirect.gather [hbm4b:s18+s9], $0x80, s2, s9, $0xb8;
	[tilespmem:$0x9000] =	vst v63  }
0x1c8: {  	_ = 	snop  }
0x1c9: {  	[tilespmem:s5], [sflag:$0x2] =	stream.indirect.gather [hbm4b:s18+s9], $0x80, s9, s9, $0xb8;
	[tilespmem:$0x9000] =	vst v63  }
0x1ca: {  	_ =	swait.ge [sflag:s8], $0x4000  }
0x1cb: {  	[sflag:s8] =	ssyncset.done $0x0  }
0x1cc: {  	s1 =	rddreg [dreg:$0x6];
	[sflag:s8] =	ssyncadd.s32 $0xFFFFC000  }
0x1cd: {  	[hbm4b:s1+s2] =	stream.linear.scatter [tilespmem:s7], [sflag:$0x3], $0x4000, $0x38;
	[tilespmem:$0x9000] =	vst v63  }
0x1ce: {  	_ =	swait.ge [sflag:s3], $0x4000  }
0x1cf: {  	[sflag:s3] =	ssyncset.done $0x0  }
0x1d0: {  	s1 =	rddreg [dreg:$0x1e];
	[sflag:s3] =	ssyncadd.s32 $0xFFFFC000  }
0x1d1: {  	[tilespmem:s7], [sflag:$0x1] =	stream.indirect.gather [hbm4b:s18+s9], $0x80, s1, s9, $0xb8;
	[tilespmem:$0x9000] =	vst v63  }
0x1d2: {  	_ =	swait.ge [sflag:s6], $0x4000  }
0x1d3: {  	[sflag:s6] =	ssyncset.done $0x0  }
0x1d4: {  	s1 =	rddreg [dreg:$0x7];
	[sflag:s6] =	ssyncadd.s32 $0xFFFFC000  }
0x1d5: {  	[hbm4b:s1+s2] =	stream.linear.scatter [tilespmem:s5], [sflag:$0x3], $0x4000, $0x38;
	[tilespmem:$0x9000] =	vst v63  }
0x1d6: {  	_ =	swait.ge [sflag:s3], $0x4000  }
0x1d7: {  	[sflag:s3] =	ssyncset.done $0x0  }
0x1d8: {  	s1 =	rddreg [dreg:$0x1f];
	[sflag:s3] =	ssyncadd.s32 $0xFFFFC000  }
0x1d9: {  	[tilespmem:s5], [sflag:$0x2] =	stream.indirect.gather [hbm4b:s18+s9], $0x80, s1, s9, $0xb8;
	[tilespmem:$0x9000] =	vst v63  }
0x1da: {  	_ =	swait.ge [sflag:s8], $0x4000  }
0x1db: {  	[sflag:s8] =	ssyncset.done $0x0  }
0x1dc: {  	s1 =	rddreg [dreg:$0x8];
	[sflag:s8] =	ssyncadd.s32 $0xFFFFC000  }
0x1dd: {  	[hbm4b:s1+s2] =	stream.linear.scatter [tilespmem:s7], [sflag:$0x3], $0x4000, $0x38;
	[tilespmem:$0x9000] =	vst v63  }
0x1de: {  	_ =	swait.ge [sflag:s3], $0x4000  }
0x1df: {  	[sflag:s3] =	ssyncset.done $0x0  }
0x1e0: {  	[sflag:s3] =	ssyncadd.s32 $0xFFFFC000  }
0x1e1: {  	[tilespmem:s7], [sflag:$0x1] =	stream.indirect.gather [hbm4b:s18+s9], $0x80, s31, s9, $0xb8;
	[tilespmem:$0x9000] =	vst v63  }
0x1e2: {  	_ =	swait.ge [sflag:s6], $0x4000  }
0x1e3: {  	[sflag:s6] =	ssyncset.done $0x0  }
0x1e4: {  	s1 =	rddreg [dreg:$0x9];
	[sflag:s6] =	ssyncadd.s32 $0xFFFFC000  }
0x1e5: {  	[hbm4b:s1+s2] =	stream.linear.scatter [tilespmem:s5], [sflag:$0x3], $0x4000, $0x38;
	[tilespmem:$0x9000] =	vst v63  }
0x1e6: {  	_ =	swait.ge [sflag:s3], $0x4000  }
0x1e7: {  	[sflag:s3] =	ssyncset.done $0x0  }
0x1e8: {  	[sflag:s3] =	ssyncadd.s32 $0xFFFFC000  }
0x1e9: {  	[tilespmem:s5], [sflag:$0x2] =	stream.indirect.gather [hbm4b:s18+s9], $0x80, s30, s9, $0xb8;
	[tilespmem:$0x9000] =	vst v63  }
0x1ea: {  	_ =	swait.ge [sflag:s8], $0x4000  }
0x1eb: {  	[sflag:s8] =	ssyncset.done $0x0  }
0x1ec: {  	s30 =	rddreg [dreg:$0xa];
	[sflag:s8] =	ssyncadd.s32 $0xFFFFC000  }
0x1ed: {  	[hbm4b:s30+s2] =	stream.linear.scatter [tilespmem:s7], [sflag:$0x3], $0x4000, $0x38;
	[tilespmem:$0x9000] =	vst v63  }
0x1ee: {  	_ =	swait.ge [sflag:s3], $0x4000  }
0x1ef: {  	[sflag:s3] =	ssyncset.done $0x0  }
0x1f0: {  	[sflag:s3] =	ssyncadd.s32 $0xFFFFC000  }
0x1f1: {  	[tilespmem:s7], [sflag:$0x1] =	stream.indirect.gather [hbm4b:s18+s9], $0x80, s29, s9, $0xb8;
	[tilespmem:$0x9000] =	vst v63  }
0x1f2: {  	_ =	swait.ge [sflag:s6], $0x4000  }
0x1f3: {  	[sflag:s6] =	ssyncset.done $0x0  }
0x1f4: {  	s31 =	rddreg [dreg:$0xb];
	[sflag:s6] =	ssyncadd.s32 $0xFFFFC000  }
0x1f5: {  	[hbm4b:s31+s2] =	stream.linear.scatter [tilespmem:s5], [sflag:$0x3], $0x4000, $0x38;
	[tilespmem:$0x9000] =	vst v63  }
0x1f6: {  	_ =	swait.ge [sflag:s3], $0x4000  }
0x1f7: {  	[sflag:s3] =	ssyncset.done $0x0  }
0x1f8: {  	[sflag:s3] =	ssyncadd.s32 $0xFFFFC000  }
0x1f9: {  	[tilespmem:s5], [sflag:$0x2] =	stream.indirect.gather [hbm4b:s18+s9], $0x80, s28, s9, $0xb8;
	[tilespmem:$0x9000] =	vst v63  }
0x1fa: {  	_ =	swait.ge [sflag:s8], $0x4000  }
0x1fb: {  	[sflag:s8] =	ssyncset.done $0x0  }
0x1fc: {  	s1 =	rddreg [dreg:$0xc];
	[sflag:s8] =	ssyncadd.s32 $0xFFFFC000  }
0x1fd: {  	[hbm4b:s1+s2] =	stream.linear.scatter [tilespmem:s7], [sflag:$0x3], $0x4000, $0x38;
	[tilespmem:$0x9000] =	vst v63  }
0x1fe: {  	_ =	swait.ge [sflag:s3], $0x4000  }
0x1ff: {  	[sflag:s3] =	ssyncset.done $0x0  }
0x200: {  	[sflag:s3] =	ssyncadd.s32 $0xFFFFC000  }
0x201: {  	[tilespmem:s7], [sflag:$0x1] =	stream.indirect.gather [hbm4b:s18+s9], $0x80, s26, s9, $0xb8;
	[tilespmem:$0x9000] =	vst v63  }
0x202: {  	_ =	swait.ge [sflag:s6], $0x4000  }
0x203: {  	[sflag:s6] =	ssyncset.done $0x0  }
0x204: {  	s28 =	rddreg [dreg:$0xd];
	[sflag:s6] =	ssyncadd.s32 $0xFFFFC000  }
0x205: {  	[hbm4b:s28+s2] =	stream.linear.scatter [tilespmem:s5], [sflag:$0x3], $0x4000, $0x38;
	[tilespmem:$0x9000] =	vst v63  }
0x206: {  	_ =	swait.ge [sflag:s3], $0x4000  }
0x207: {  	[sflag:s3] =	ssyncset.done $0x0  }
0x208: {  	[sflag:s3] =	ssyncadd.s32 $0xFFFFC000  }
0x209: {  	[tilespmem:s5], [sflag:$0x2] =	stream.indirect.gather [hbm4b:s18+s9], $0x80, s25, s9, $0xb8;
	[tilespmem:$0x9000] =	vst v63  }
0x20a: {  	_ =	swait.ge [sflag:s8], $0x4000  }
0x20b: {  	[sflag:s8] =	ssyncset.done $0x0  }
0x20c: {  	s29 =	rddreg [dreg:$0xe];
	[sflag:s8] =	ssyncadd.s32 $0xFFFFC000  }
0x20d: {  	[hbm4b:s29+s2] =	stream.linear.scatter [tilespmem:s7], [sflag:$0x3], $0x4000, $0x38;
	[tilespmem:$0x9000] =	vst v63  }
0x20e: {  	_ =	swait.ge [sflag:s3], $0x4000  }
0x20f: {  	[sflag:s3] =	ssyncset.done $0x0  }
0x210: {  	[sflag:s3] =	ssyncadd.s32 $0xFFFFC000  }
0x211: {  	[tilespmem:s7], [sflag:$0x1] =	stream.indirect.gather [hbm4b:s18+s9], $0x80, s24, s9, $0xb8;
	[tilespmem:$0x9000] =	vst v63  }
0x212: {  	_ =	swait.ge [sflag:s6], $0x4000  }
0x213: {  	[sflag:s6] =	ssyncset.done $0x0  }
0x214: {  	s30 =	rddreg [dreg:$0xf];
	[sflag:s6] =	ssyncadd.s32 $0xFFFFC000  }
0x215: {  	[hbm4b:s30+s2] =	stream.linear.scatter [tilespmem:s5], [sflag:$0x3], $0x4000, $0x38;
	[tilespmem:$0x9000] =	vst v63  }
0x216: {  	_ =	swait.ge [sflag:s3], $0x4000  }
0x217: {  	[sflag:s3] =	ssyncset.done $0x0  }
0x218: {  	[sflag:s3] =	ssyncadd.s32 $0xFFFFC000  }
0x219: {  	[tilespmem:s5], [sflag:$0x2] =	stream.indirect.gather [hbm4b:s18+s9], $0x80, s23, s9, $0xb8;
	[tilespmem:$0x9000] =	vst v63  }
0x21a: {  	_ =	swait.ge [sflag:s8], $0x4000  }
0x21b: {  	[sflag:s8] =	ssyncset.done $0x0  }
0x21c: {  	s31 =	rddreg [dreg:$0x10];
	[sflag:s8] =	ssyncadd.s32 $0xFFFFC000  }
0x21d: {  	[hbm4b:s31+s2] =	stream.linear.scatter [tilespmem:s7], [sflag:$0x3], $0x4000, $0x38;
	[tilespmem:$0x9000] =	vst v63  }
0x21e: {  	_ =	swait.ge [sflag:s3], $0x4000  }
0x21f: {  	[sflag:s3] =	ssyncset.done $0x0  }
0x220: {  	[sflag:s3] =	ssyncadd.s32 $0xFFFFC000  }
0x221: {  	_ =	swait.ge [sflag:s6], $0x4000  }
0x222: {  	[sflag:s6] =	ssyncset.done $0x0  }
0x223: {  	s1 =	rddreg [dreg:$0x11];
	[sflag:s6] =	ssyncadd.s32 $0xFFFFC000  }
0x224: {  	[hbm4b:s1+s2] =	stream.linear.scatter [tilespmem:s5], [sflag:$0x3], $0x4000, $0x38;
	[tilespmem:$0x9000] =	vst v63  }
0x225: {  	_ =	swait.ge [sflag:s3], $0x4000  }
0x226: {  	[sflag:s3] =	ssyncset.done $0x0  }
0x227: {  	[sflag:s3] =	ssyncadd.s32 $0xFFFFC000  }
0x228: {  	[tilespmem:s7], [sflag:$0x1] =	stream.indirect.gather [hbm4b:s4+s9], $0x80, s19, s9, $0xb8;
	[tilespmem:$0x9000] =	vst v63  }
0x229: {  	_ = 	snop  }
0x22a: {  	[tilespmem:s5], [sflag:$0x2] =	stream.indirect.gather [hbm4b:s4+s9], $0x80, s22, s9, $0xb8;
	[tilespmem:$0x9000] =	vst v63  }
0x22b: {  	_ =	swait.ge [sflag:s8], $0x4000  }
0x22c: {  	[sflag:s8] =	ssyncset.done $0x0  }
0x22d: {  	s18 =	rddreg [dreg:$0x12];
	[sflag:s8] =	ssyncadd.s32 $0xFFFFC000  }
0x22e: {  	[hbm4b:s18+s2] =	stream.linear.scatter [tilespmem:s7], [sflag:$0x3], $0x4000, $0x38;
	[tilespmem:$0x9000] =	vst v63  }
0x22f: {  	_ =	swait.ge [sflag:s3], $0x4000  }
0x230: {  	[sflag:s3] =	ssyncset.done $0x0  }
0x231: {  	[sflag:s3] =	ssyncadd.s32 $0xFFFFC000  }
0x232: {  	[tilespmem:s7], [sflag:$0x1] =	stream.indirect.gather [hbm4b:s4+s9], $0x80, s21, s9, $0xb8;
	[tilespmem:$0x9000] =	vst v63  }
0x233: {  	_ =	swait.ge [sflag:s6], $0x4000  }
0x234: {  	[sflag:s6] =	ssyncset.done $0x0  }
0x235: {  	s19 =	rddreg [dreg:$0x13];
	[sflag:s6] =	ssyncadd.s32 $0xFFFFC000  }
0x236: {  	[hbm4b:s19+s2] =	stream.linear.scatter [tilespmem:s5], [sflag:$0x3], $0x4000, $0x38;
	[tilespmem:$0x9000] =	vst v63  }
0x237: {  	_ =	swait.ge [sflag:s3], $0x4000  }
0x238: {  	[sflag:s3] =	ssyncset.done $0x0  }
0x239: {  	[sflag:s3] =	ssyncadd.s32 $0xFFFFC000  }
0x23a: {  	[tilespmem:s5], [sflag:$0x2] =	stream.indirect.gather [hbm4b:s4+s9], $0x80, s20, s9, $0xb8;
	[tilespmem:$0x9000] =	vst v63  }
0x23b: {  	_ =	swait.ge [sflag:s8], $0x4000  }
0x23c: {  	[sflag:s8] =	ssyncset.done $0x0  }
0x23d: {  	s20 =	rddreg [dreg:$0x14];
	[sflag:s8] =	ssyncadd.s32 $0xFFFFC000  }
0x23e: {  	[hbm4b:s20+s2] =	stream.linear.scatter [tilespmem:s7], [sflag:$0x3], $0x4000, $0x38;
	[tilespmem:$0x9000] =	vst v63  }
0x23f: {  	_ =	swait.ge [sflag:s3], $0x4000  }
0x240: {  	[sflag:s3] =	ssyncset.done $0x0  }
0x241: {  	[sflag:s3] =	ssyncadd.s32 $0xFFFFC000  }
0x242: {  	[tilespmem:s7], [sflag:$0x1] =	stream.indirect.gather [hbm4b:s4+s9], $0x80, s17, s9, $0xb8;
	[tilespmem:$0x9000] =	vst v63  }
0x243: {  	_ =	swait.ge [sflag:s6], $0x4000  }
0x244: {  	[sflag:s6] =	ssyncset.done $0x0  }
0x245: {  	s21 =	rddreg [dreg:$0x15];
	[sflag:s6] =	ssyncadd.s32 $0xFFFFC000  }
0x246: {  	[hbm4b:s21+s2] =	stream.linear.scatter [tilespmem:s5], [sflag:$0x3], $0x4000, $0x38;
	[tilespmem:$0x9000] =	vst v63  }
0x247: {  	_ =	swait.ge [sflag:s3], $0x4000  }
0x248: {  	[sflag:s3] =	ssyncset.done $0x0  }
0x249: {  	[sflag:s3] =	ssyncadd.s32 $0xFFFFC000  }
0x24a: {  	[tilespmem:s5], [sflag:$0x2] =	stream.indirect.gather [hbm4b:s4+s9], $0x80, s16, s9, $0xb8;
	[tilespmem:$0x9000] =	vst v63  }
0x24b: {  	_ =	swait.ge [sflag:s8], $0x4000  }
0x24c: {  	[sflag:s8] =	ssyncset.done $0x0  }
0x24d: {  	s22 =	rddreg [dreg:$0x16];
	[sflag:s8] =	ssyncadd.s32 $0xFFFFC000  }
0x24e: {  	[hbm4b:s22+s2] =	stream.linear.scatter [tilespmem:s7], [sflag:$0x3], $0x4000, $0x38;
	[tilespmem:$0x9000] =	vst v63  }
0x24f: {  	_ =	swait.ge [sflag:s3], $0x4000  }
0x250: {  	[sflag:s3] =	ssyncset.done $0x0  }
0x251: {  	[sflag:s3] =	ssyncadd.s32 $0xFFFFC000  }
0x252: {  	[tilespmem:s7], [sflag:$0x1] =	stream.indirect.gather [hbm4b:s4+s9], $0x80, s15, s9, $0xb8;
	[tilespmem:$0x9000] =	vst v63  }
0x253: {  	_ =	swait.ge [sflag:s6], $0x4000  }
0x254: {  	[sflag:s6] =	ssyncset.done $0x0  }
0x255: {  	s23 =	rddreg [dreg:$0x17];
	[sflag:s6] =	ssyncadd.s32 $0xFFFFC000  }
0x256: {  	[hbm4b:s23+s2] =	stream.linear.scatter [tilespmem:s5], [sflag:$0x3], $0x4000, $0x38;
	[tilespmem:$0x9000] =	vst v63  }
0x257: {  	_ =	swait.ge [sflag:s3], $0x4000  }
0x258: {  	[sflag:s3] =	ssyncset.done $0x0  }
0x259: {  	[sflag:s3] =	ssyncadd.s32 $0xFFFFC000  }
0x25a: {  	[tilespmem:s5], [sflag:$0x2] =	stream.indirect.gather [hbm4b:s4+s9], $0x80, s14, s9, $0xb8;
	[tilespmem:$0x9000] =	vst v63  }
0x25b: {  	_ =	swait.ge [sflag:s8], $0x4000  }
0x25c: {  	[sflag:s8] =	ssyncset.done $0x0  }
0x25d: {  	s24 =	rddreg [dreg:$0x18];
	[sflag:s8] =	ssyncadd.s32 $0xFFFFC000  }
0x25e: {  	[hbm4b:s24+s2] =	stream.linear.scatter [tilespmem:s7], [sflag:$0x3], $0x4000, $0x38;
	[tilespmem:$0x9000] =	vst v63  }
0x25f: {  	_ =	swait.ge [sflag:s3], $0x4000  }
0x260: {  	[sflag:s3] =	ssyncset.done $0x0  }
0x261: {  	[sflag:s3] =	ssyncadd.s32 $0xFFFFC000  }
0x262: {  	[tilespmem:s7], [sflag:$0x1] =	stream.indirect.gather [hbm4b:s4+s9], $0x80, s13, s9, $0xb8;
	[tilespmem:$0x9000] =	vst v63  }
0x263: {  	_ =	swait.ge [sflag:s6], $0x4000  }
0x264: {  	[sflag:s6] =	ssyncset.done $0x0  }
0x265: {  	s25 =	rddreg [dreg:$0x19];
	[sflag:s6] =	ssyncadd.s32 $0xFFFFC000  }
0x266: {  	[hbm4b:s25+s2] =	stream.linear.scatter [tilespmem:s5], [sflag:$0x3], $0x4000, $0x38;
	[tilespmem:$0x9000] =	vst v63  }
0x267: {  	_ =	swait.ge [sflag:s3], $0x4000  }
0x268: {  	[sflag:s3] =	ssyncset.done $0x0  }
0x269: {  	[sflag:s3] =	ssyncadd.s32 $0xFFFFC000  }
0x26a: {  	[tilespmem:s5], [sflag:$0x2] =	stream.indirect.gather [hbm4b:s4+s9], $0x80, s12, s9, $0xb8;
	[tilespmem:$0x9000] =	vst v63  }
0x26b: {  	_ =	swait.ge [sflag:s8], $0x4000  }
0x26c: {  	[sflag:s8] =	ssyncset.done $0x0  }
0x26d: {  	s26 =	rddreg [dreg:$0x1a];
	[sflag:s8] =	ssyncadd.s32 $0xFFFFC000  }
0x26e: {  	[hbm4b:s26+s2] =	stream.linear.scatter [tilespmem:s7], [sflag:$0x3], $0x4000, $0x38;
	[tilespmem:$0x9000] =	vst v63  }
0x26f: {  	_ =	swait.ge [sflag:s3], $0x4000  }
0x270: {  	[sflag:s3] =	ssyncset.done $0x0  }
0x271: {  	[sflag:s3] =	ssyncadd.s32 $0xFFFFC000  }
0x272: {  	[tilespmem:s7], [sflag:$0x1] =	stream.indirect.gather [hbm4b:s4+s9], $0x80, s11, s9, $0xb8;
	[tilespmem:$0x9000] =	vst v63  }
0x273: {  	_ =	swait.ge [sflag:s6], $0x4000  }
0x274: {  	[sflag:s6] =	ssyncset.done $0x0  }
0x275: {  	s28 =	rddreg [dreg:$0x1b];
	[sflag:s6] =	ssyncadd.s32 $0xFFFFC000  }
0x276: {  	[hbm4b:s28+s2] =	stream.linear.scatter [tilespmem:s5], [sflag:$0x3], $0x4000, $0x38;
	[tilespmem:$0x9000] =	vst v63  }
0x277: {  	_ =	swait.ge [sflag:s3], $0x4000  }
0x278: {  	[sflag:s3] =	ssyncset.done $0x0  }
0x279: {  	[sflag:s3] =	ssyncadd.s32 $0xFFFFC000  }
0x27a: {  	[tilespmem:s5], [sflag:$0x2] =	stream.indirect.gather [hbm4b:s4+s9], $0x80, s10, s9, $0xb8;
	[tilespmem:$0x9000] =	vst v63  }
0x27b: {  	_ =	swait.ge [sflag:s8], $0x4000  }
0x27c: {  	[sflag:s8] =	ssyncset.done $0x0  }
0x27d: {  	s29 =	rddreg [dreg:$0x1c];
	[sflag:s8] =	ssyncadd.s32 $0xFFFFC000  }
0x27e: {  	[hbm4b:s29+s2] =	stream.linear.scatter [tilespmem:s7], [sflag:$0x3], $0x4000, $0x38;
	[tilespmem:$0x9000] =	vst v63  }
0x27f: {  	_ =	swait.ge [sflag:s3], $0x4000  }
0x280: {  	[sflag:s3] =	ssyncset.done $0x0  }
0x281: {  	[sflag:s3] =	ssyncadd.s32 $0xFFFFC000  }
0x282: {  	_ =	swait.ge [sflag:s6], $0x4000  }
0x283: {  	[sflag:s6] =	ssyncset.done $0x0  }
0x284: {  	s30 =	rddreg [dreg:$0x1d];
	[sflag:s6] =	ssyncadd.s32 $0xFFFFC000  }
0x285: {  	[hbm4b:s30+s2] =	stream.linear.scatter [tilespmem:s5], [sflag:$0x3], $0x4000, $0x38;
	[tilespmem:$0x9000] =	vst v63  }
0x286: {  	_ =	swait.ge [sflag:s3], $0x4000  }
0x287: {  	[sflag:s3] =	ssyncset.done $0x0  }
0x288: {  	[sflag:s3] =	ssyncadd.s32 $0xFFFFC000  }
0x289: {  	_ =	sfence.sel $0x180000  }
0x28a: {  	[bflag:$0x0] =	sbarrier.arrive $0xFFFF  }
0x28b: {  	_ =	strace $0x90000047  }
0x28c: {  	s31 =	stileid.u32;
	[bflag:$0x2] =	sbarrier.arrive $0xFFFF  }
0x28d: {  	p0 =	sne.s32 s31, $0x0;
	s0 =	rddreg [dreg:$0x3]  }
0x28e: {  	s0 =	sadd.s32 @!p0 $0x100000, s0  }
0x28f: {  	[sflag:s0] =	ssyncadd.tile.s32 @!p0 $0x1;
	_ =	shalt  }
.Lfunc_end2:
_tile_overlayer_lowered:
.L_overlay_start_2:
0x290: {  	(tag) =	ssettag $0x2  }
0x291: {  	s0 =	rddreg [dreg:$0x0];
	s2 =	stileid.u32  }
0x292: {  	s1 =	rddreg [dreg:$0x1];
	p0 =	sne.s32 s2, $0x0  }
0x293: {  	s3 =	rddreg [dreg:$0x2];
	[bflag:$0x3] =	sbarrier.arrive $0xFFFF;
	s2 =	simm.s32 @!p0 $0x1C03  }
0x294: {  	[timem:s3], [sflag:s2] =	dma.local @!p0 [hbm:s0], s1  }
0x295: {  	s0 =	simm.s32 @!p0 $0x3  }
0x296: {  	_ =	swait.ge @!p0 [sflag:s0], s1  }
0x297: {  	s1 =	ssub.s32 @!p0 $0x0, s1;
	[sflag:s0] =	ssyncset.done @!p0 $0x0  }
0x298: {  	[sflag:s0] =	ssyncadd.s32 @!p0 s1  }
0x299: {  	[bflag:$0x3] =	sbarrier.arrive $0xFFFF  }
0x29a: {  	_ =	shalt  }

</sc_bundles>
